<compile_context>
chip_gen: v7x
topology: tpu7x:2x2x1
jax: 0.10.2.dev20260603
libtpu: 0.0.44.dev20260713+nightly
codegen_flags: <defaults>
</compile_context>

<pallas_src>
import functools

import jax
import jax.numpy as jnp
from jax import lax
from jax.experimental import pallas as pl
from jax.experimental.pallas import tpu as pltpu
from jax.experimental.pallas import tpu_sc as plsc

NC = 2
NS = 16
LANES = 16
NW = NC * NS


def _pick_window(n):
    for w in range(8, 0, -1):
        if n % w == 0:
            return w
    return 1


def _sc_kernel(B, L, C, V, interpret=False):
    rows_w = B // NW
    groups = rows_w // LANES
    pairs = (C + 1) // 2
    window = _pick_window(L)
    n_windows = L // window

    mesh = plsc.VectorSubcoreMesh(
        core_axis_name="c", subcore_axis_name="s", num_cores=NC, num_subcores=NS
    )

    @functools.partial(
        pl.kernel,
        out_type=jax.ShapeDtypeStruct((B, C), jnp.float32),
        mesh=mesh,
        scratch_types=[
            pltpu.VMEM((rows_w * L,), jnp.int32),
            pltpu.VMEM((pairs * V + LANES,), jnp.int32),
            pltpu.VMEM((rows_w, C), jnp.float32),
            pltpu.SemaphoreType.DMA,
            pltpu.SemaphoreType.DMA,
        ],
        compiler_params=pltpu.CompilerParams(
            needs_layout_passes=False, use_tc_tiling_on_sc=False
        ),
        interpret=interpret,
    )
    def run(ids_hbm, w_hbm, out_hbm, ids_v, w_v, out_v, sem1, sem2):
        wid = lax.axis_index("s") * NC + lax.axis_index("c")
        base = wid * rows_w
        half = rows_w * L // 2

        cp1 = pltpu.async_copy(
            ids_hbm.at[pl.ds(base * L, half)], ids_v.at[pl.ds(0, half)], sem1
        )
        cp2 = pltpu.async_copy(
            ids_hbm.at[pl.ds(base * L + half, half)],
            ids_v.at[pl.ds(half, half)],
            sem2,
        )
        pltpu.sync_copy(w_hbm, w_v)

        lane = lax.iota(jnp.int32, LANES)
        bvec = plsc.bitcast(w_v[pl.ds(pairs * V, LANES)], jnp.float32)
        zerob = jnp.zeros((2 * LANES,), jnp.bfloat16)

        def group_body(g, _):
            rv = g * LANES + lane
            rid = rv * L

            def win_body(w, accs):
                l0 = w * window
                accb = [zerob] * pairs
                for j in range(window):
                    idv = plsc.load_gather(ids_v, [rid + (l0 + j)])
                    for p in range(pairs):
                        x = plsc.load_gather(w_v, [idv + (p * V)])
                        accb[p] = accb[p] + plsc.bitcast(x, jnp.bfloat16)
                new = list(accs)
                for p in range(pairs):
                    xi = plsc.bitcast(accb[p], jnp.int32)
                    new[2 * p] = new[2 * p] + plsc.bitcast(xi << 16, jnp.float32)
                    if 2 * p + 1 < C:
                        new[2 * p + 1] = new[2 * p + 1] + plsc.bitcast(
                            xi & jnp.int32(-65536), jnp.float32
                        )
                return tuple(new)

            init = tuple(jnp.full((LANES,), bvec[c], jnp.float32) for c in range(C))
            accs = lax.fori_loop(0, n_windows, win_body, init)

            m = accs[0]
            for c in range(1, C):
                m = jnp.maximum(m, accs[c])
            es = tuple(jnp.exp(acc - m) for acc in accs)
            s = es[0]
            for c in range(1, C):
                s = s + es[c]
            inv = jnp.float32(1.0) / s
            for c in range(C):
                plsc.store_scatter(
                    out_v, [rv, jnp.full((LANES,), c, jnp.int32)], es[c] * inv
                )
            return ()

        cp1.wait()
        lax.fori_loop(0, groups // 2, group_body, ())
        cp2.wait()
        lax.fori_loop(groups // 2, groups, group_body, ())
        pltpu.sync_copy(out_v, out_hbm.at[pl.ds(base, rows_w)])

    return run


def kernel(ids, W, b):
    B, L = ids.shape
    C, V = W.shape
    pairs = (C + 1) // 2
    wb = jnp.zeros((2 * pairs, V), jnp.bfloat16).at[:C].set(W.astype(jnp.bfloat16))
    u = lax.bitcast_convert_type(wb, jnp.uint16).astype(jnp.uint32)
    packed = (u[0::2] | (u[1::2] << 16)).astype(jnp.int32)
    b_pad = jnp.zeros((LANES,), jnp.float32).at[:C].set(b)
    table = jnp.concatenate(
        [packed.reshape(-1), lax.bitcast_convert_type(b_pad, jnp.int32)]
    )
    out = _sc_kernel(B, L, C, V)(ids.reshape(-1), table)
    return out

# --- scband reference (transcript-rebuilt; emitter-appended) ---
"""Pipeline reference for scband-learnable-seed-clf-3547642986554 (READ-ONLY COPY).

The authoritative reference and input builder live on the scoring server;
editing this copy changes nothing except your own understanding.
"""

import jax, jax.numpy as jnp
import numpy as np

B, L, V, C = 16384, 200, 1000, 9


def setup_inputs(seed: int = 0) -> dict:
    key = jax.random.key(seed)
    k1, k2, k3 = jax.random.split(key, 3)
    ids = jax.random.randint(k1, (B, L), 0, V, dtype=jnp.int32)
    # Learned linear layer params (vocab_size -> num_classes)
    W = jax.random.normal(k2, (C, V), dtype=jnp.float32) * 0.02
    b = jax.random.normal(k3, (C,), dtype=jnp.float32) * 0.02
    return {"ids": ids, "W": W, "b": b}


def reference(ids, W, b):
    # Bag-of-words histogram: per-row scatter-add of token counts into vocab bins
    Bn, Ln = ids.shape
    Vn = W.shape[1]
    rows = jnp.broadcast_to(jnp.arange(Bn)[:, None], ids.shape)
    bow_vec = jnp.zeros((Bn, Vn), dtype=jnp.float32).at[rows, ids].add(1.0)
    # Linear + softmax over aspect classes
    logits = bow_vec @ W.T + b
    aspect_probs = jax.nn.softmax(logits, axis=1)
    return aspect_probs

if __name__ == "__main__":
    import jax
    _d = setup_inputs()
    print(jax.jit(kernel)(*tuple(_d.values())))

</pallas_src>

<mosaic_0001>
#map = affine_map<(d0, d1) -> (0)>
#map1 = affine_map<(d0, d1) -> (0, 0)>
module attributes {stable_mosaic.version = 14 : i64} {
  func.func @run(%arg0: i32, %arg1: i32, %arg2: memref<3276800xi32, #tpu.memory_space<hbm>>, %arg3: memref<5016xi32, #tpu.memory_space<hbm>>, %arg4: memref<16384x9xf32, #tpu.memory_space<hbm>>, %arg5: memref<102400xi32, #tpu.memory_space<vmem>>, %arg6: memref<5016xi32, #tpu.memory_space<vmem>>, %arg7: memref<512x9xf32, #tpu.memory_space<vmem>>, %arg8: memref<!tpu.dma_semaphore, #tpu.memory_space<semaphore_mem>>, %arg9: memref<!tpu.dma_semaphore, #tpu.memory_space<semaphore_mem>>) attributes {dimension_semantics = [#tpu.dimension_semantics<core_parallel>, #tpu.dimension_semantics<subcore_parallel>], iteration_bounds = array<i64: 2, 16>, scalar_prefetch = 0 : i64, scratch_operands = 5 : i64, tpu.core_type = #tpu.core_type<sc_vector_subcore>, window_params = [{transform_indices = #map}, {transform_indices = #map}, {transform_indices = #map1}]} {
    %mul3A = arith.constant 2 : i32
    %mul3A_0 = arith.muli %arg1, %mul3A : i32
    %add3A = arith.addi %mul3A_0, %arg0 : i32
    %mul3A_1 = arith.constant 512 : i32
    %mul3A_2 = arith.muli %add3A, %mul3A_1 : i32
    %mul3A_3 = arith.constant 200 : i32
    %mul3A_4 = arith.muli %mul3A_2, %mul3A_3 : i32
    %dma_start3A = arith.constant 0 : i32
    %dma_start3A_5 = tpu.memref_slice %arg5[%dma_start3A] : memref<102400xi32, #tpu.memory_space<vmem>> -> memref<51200xi32, #tpu.memory_space<vmem>>
    %dma_start3A_6 = tpu.memref_slice %arg2[%mul3A_4] : memref<3276800xi32, #tpu.memory_space<hbm>> -> memref<51200xi32, #tpu.memory_space<hbm>>
    %dma_start3A_7 = arith.constant 0 : i32
    %dma_start3A_8 = tpu.memref_slice %arg5[%dma_start3A_7] : memref<102400xi32, #tpu.memory_space<vmem>> -> memref<51200xi32, #tpu.memory_space<vmem>>
    %dma_start3A_9 = tpu.memref_slice %arg2[%mul3A_4] : memref<3276800xi32, #tpu.memory_space<hbm>> -> memref<51200xi32, #tpu.memory_space<hbm>>
    tpu.enqueue_dma source(%dma_start3A_9 : memref<51200xi32, #tpu.memory_space<hbm>>) target(%dma_start3A_8 : memref<51200xi32, #tpu.memory_space<vmem>>) target_semaphore(%arg8 : memref<!tpu.dma_semaphore, #tpu.memory_space<semaphore_mem>>)
    %mul3A_10 = arith.constant 200 : i32
    %mul3A_11 = arith.muli %mul3A_2, %mul3A_10 : i32
    %add3A_12 = arith.constant 51200 : i32
    %add3A_13 = arith.addi %mul3A_11, %add3A_12 : i32
    %dma_start3A_14 = arith.constant 51200 : i32
    %dma_start3A_15 = tpu.memref_slice %arg5[%dma_start3A_14] : memref<102400xi32, #tpu.memory_space<vmem>> -> memref<51200xi32, #tpu.memory_space<vmem>>
    %dma_start3A_16 = tpu.memref_slice %arg2[%add3A_13] : memref<3276800xi32, #tpu.memory_space<hbm>> -> memref<51200xi32, #tpu.memory_space<hbm>>
    %dma_start3A_17 = arith.constant 51200 : i32
    %dma_start3A_18 = tpu.memref_slice %arg5[%dma_start3A_17] : memref<102400xi32, #tpu.memory_space<vmem>> -> memref<51200xi32, #tpu.memory_space<vmem>>
    %dma_start3A_19 = tpu.memref_slice %arg2[%add3A_13] : memref<3276800xi32, #tpu.memory_space<hbm>> -> memref<51200xi32, #tpu.memory_space<hbm>>
    tpu.enqueue_dma source(%dma_start3A_19 : memref<51200xi32, #tpu.memory_space<hbm>>) target(%dma_start3A_18 : memref<51200xi32, #tpu.memory_space<vmem>>) target_semaphore(%arg9 : memref<!tpu.dma_semaphore, #tpu.memory_space<semaphore_mem>>)
    "tpu.region"() ({
      %run_scoped3A = tpu.sem_alloc : memref<!tpu.dma_semaphore, #tpu.memory_space<semaphore_mem>>
      tpu.enqueue_dma source(%arg3 : memref<5016xi32, #tpu.memory_space<hbm>>) target(%arg6 : memref<5016xi32, #tpu.memory_space<vmem>>) target_semaphore(%run_scoped3A : memref<!tpu.dma_semaphore, #tpu.memory_space<semaphore_mem>>)
      tpu.wait_dma2 semaphore(%run_scoped3A : memref<!tpu.dma_semaphore, #tpu.memory_space<semaphore_mem>>) src(%arg3 : memref<5016xi32, #tpu.memory_space<hbm>>) dst(%arg6 : memref<5016xi32, #tpu.memory_space<vmem>>)
      tpu.yield
    }) : () -> ()
    %iota3A = tpu.iota {dimensions = array<i32: 0>} : vector<16xi32>
    %get3A = arith.constant 5000 : index
    %get3A_20 = tpu.vector_load %arg6[%get3A] {strides = array<i32>} : memref<5016xi32, #tpu.memory_space<vmem>>, vector<16xi32>,
    %bitcast3A = vector.bitcast %get3A_20 : vector<16xi32> to vector<16xf32>
    %broadcast_in_dim3A = arith.constant 0.000000e+00 : bf16
    %broadcast_in_dim3A_21 = vector.broadcast %broadcast_in_dim3A : bf16 to vector<32xbf16>
    %dma_wait3A = arith.constant 0 : i32
    %dma_wait3A_22 = tpu.memref_slice %arg5[%dma_wait3A] : memref<102400xi32, #tpu.memory_space<vmem>> -> memref<51200xi32, #tpu.memory_space<vmem>>
    %dma_wait3A_23 = tpu.memref_slice %arg2[%mul3A_4] : memref<3276800xi32, #tpu.memory_space<hbm>> -> memref<51200xi32, #tpu.memory_space<hbm>>
    %dma_wait3A_24 = arith.constant 0 : i32
    %dma_wait3A_25 = tpu.memref_slice %arg5[%dma_wait3A_24] : memref<102400xi32, #tpu.memory_space<vmem>> -> memref<51200xi32, #tpu.memory_space<vmem>>
    %dma_wait3A_26 = tpu.memref_slice %arg2[%mul3A_4] : memref<3276800xi32, #tpu.memory_space<hbm>> -> memref<51200xi32, #tpu.memory_space<hbm>>
    tpu.wait_dma2 semaphore(%arg8 : memref<!tpu.dma_semaphore, #tpu.memory_space<semaphore_mem>>) src(%dma_wait3A_26 : memref<51200xi32, #tpu.memory_space<hbm>>) dst(%dma_wait3A_25 : memref<51200xi32, #tpu.memory_space<vmem>>)
    %scan3A = arith.constant 0 : i32
    %scan3A_27 = arith.constant 16 : i32
    %scan3A_28 = arith.addi %scan3A, %scan3A_27 : i32
    %scan3A_29 = arith.constant 1 : i32
    scf.for %scan3A_42 = %scan3A to %scan3A_28 step %scan3A_29  : i32 {
      %mul3A_43 = arith.constant 16 : i32
      %mul3A_44 = arith.muli %scan3A_42, %mul3A_43 : i32
      %add3A_45 = vector.broadcast %mul3A_44 : i32 to vector<16xi32>
      %add3A_46 = arith.addi %add3A_45, %iota3A : vector<16xi32>
      %mul3A_47 = arith.constant 200 : i32
      %mul3A_48 = vector.broadcast %mul3A_47 : i32 to vector<16xi32>
      %mul3A_49 = arith.muli %add3A_46, %mul3A_48 : vector<16xi32>
      %slice3A = vector.extract_strided_slice %bitcast3A {offsets = [0], sizes = [1], strides = [1]} : vector<16xf32> to vector<1xf32>
      %squeeze3A = vector.extract %slice3A[0] : f32 from vector<1xf32>
      %broadcast_in_dim3A_50 = vector.broadcast %squeeze3A : f32 to vector<16xf32>
      %slice3A_51 = vector.extract_strided_slice %bitcast3A {offsets = [1], sizes = [1], strides = [1]} : vector<16xf32> to vector<1xf32>
      %squeeze3A_52 = vector.extract %slice3A_51[0] : f32 from vector<1xf32>
      %broadcast_in_dim3A_53 = vector.broadcast %squeeze3A_52 : f32 to vector<16xf32>
      %slice3A_54 = vector.extract_strided_slice %bitcast3A {offsets = [2], sizes = [1], strides = [1]} : vector<16xf32> to vector<1xf32>
      %squeeze3A_55 = vector.extract %slice3A_54[0] : f32 from vector<1xf32>
      %broadcast_in_dim3A_56 = vector.broadcast %squeeze3A_55 : f32 to vector<16xf32>
      %slice3A_57 = vector.extract_strided_slice %bitcast3A {offsets = [3], sizes = [1], strides = [1]} : vector<16xf32> to vector<1xf32>
      %squeeze3A_58 = vector.extract %slice3A_57[0] : f32 from vector<1xf32>
      %broadcast_in_dim3A_59 = vector.broadcast %squeeze3A_58 : f32 to vector<16xf32>
      %slice3A_60 = vector.extract_strided_slice %bitcast3A {offsets = [4], sizes = [1], strides = [1]} : vector<16xf32> to vector<1xf32>
      %squeeze3A_61 = vector.extract %slice3A_60[0] : f32 from vector<1xf32>
      %broadcast_in_dim3A_62 = vector.broadcast %squeeze3A_61 : f32 to vector<16xf32>
      %slice3A_63 = vector.extract_strided_slice %bitcast3A {offsets = [5], sizes = [1], strides = [1]} : vector<16xf32> to vector<1xf32>
      %squeeze3A_64 = vector.extract %slice3A_63[0] : f32 from vector<1xf32>
      %broadcast_in_dim3A_65 = vector.broadcast %squeeze3A_64 : f32 to vector<16xf32>
      %slice3A_66 = vector.extract_strided_slice %bitcast3A {offsets = [6], sizes = [1], strides = [1]} : vector<16xf32> to vector<1xf32>
      %squeeze3A_67 = vector.extract %slice3A_66[0] : f32 from vector<1xf32>
      %broadcast_in_dim3A_68 = vector.broadcast %squeeze3A_67 : f32 to vector<16xf32>
      %slice3A_69 = vector.extract_strided_slice %bitcast3A {offsets = [7], sizes = [1], strides = [1]} : vector<16xf32> to vector<1xf32>
      %squeeze3A_70 = vector.extract %slice3A_69[0] : f32 from vector<1xf32>
      %broadcast_in_dim3A_71 = vector.broadcast %squeeze3A_70 : f32 to vector<16xf32>
      %slice3A_72 = vector.extract_strided_slice %bitcast3A {offsets = [8], sizes = [1], strides = [1]} : vector<16xf32> to vector<1xf32>
      %squeeze3A_73 = vector.extract %slice3A_72[0] : f32 from vector<1xf32>
      %broadcast_in_dim3A_74 = vector.broadcast %squeeze3A_73 : f32 to vector<16xf32>
      %scan3A_75 = arith.constant 0 : i32
      %scan3A_76 = arith.constant 25 : i32
      %scan3A_77 = arith.addi %scan3A_75, %scan3A_76 : i32
      %scan3A_78 = arith.constant 1 : i32
      %scan3A_79:9 = scf.for %scan3A_141 = %scan3A_75 to %scan3A_77 step %scan3A_78 iter_args(%scan3A_142 = %broadcast_in_dim3A_50, %scan3A_143 = %broadcast_in_dim3A_53, %scan3A_144 = %broadcast_in_dim3A_56, %scan3A_145 = %broadcast_in_dim3A_59, %scan3A_146 = %broadcast_in_dim3A_62, %scan3A_147 = %broadcast_in_dim3A_65, %scan3A_148 = %broadcast_in_dim3A_68, %scan3A_149 = %broadcast_in_dim3A_71, %scan3A_150 = %broadcast_in_dim3A_74) -> (vector<16xf32>, vector<16xf32>, vector<16xf32>, vector<16xf32>, vector<16xf32>, vector<16xf32>, vector<16xf32>, vector<16xf32>, vector<16xf32>)  : i32 {
        %mul3A_151 = arith.constant 8 : i32
        %mul3A_152 = arith.muli %scan3A_141, %mul3A_151 : i32
        %add3A_153 = arith.constant 0 : i32
        %add3A_154 = arith.addi %mul3A_152, %add3A_153 : i32
        %add3A_155 = vector.broadcast %add3A_154 : i32 to vector<16xi32>
        %add3A_156 = arith.addi %mul3A_49, %add3A_155 : vector<16xi32>
        %gather3A = tpu.vector_load_idx %arg5[%add3A_156] : memref<102400xi32, #tpu.memory_space<vmem>>[vector<16xi32>], vector<16xi32>,
        %add3A_157 = arith.constant 0 : i32
        %add3A_158 = vector.broadcast %add3A_157 : i32 to vector<16xi32>
        %add3A_159 = arith.addi %gather3A, %add3A_158 : vector<16xi32>
        %gather3A_160 = tpu.vector_load_idx %arg6[%add3A_159] : memref<5016xi32, #tpu.memory_space<vmem>>[vector<16xi32>], vector<16xi32>,
        %bitcast3A_161 = vector.bitcast %gather3A_160 : vector<16xi32> to vector<32xbf16>
        %add3A_162 = arith.addf %broadcast_in_dim3A_21, %bitcast3A_161 : vector<32xbf16>
        %add3A_163 = arith.constant 1000 : i32
        %add3A_164 = vector.broadcast %add3A_163 : i32 to vector<16xi32>
        %add3A_165 = arith.addi %gather3A, %add3A_164 : vector<16xi32>
        %gather3A_166 = tpu.vector_load_idx %arg6[%add3A_165] : memref<5016xi32, #tpu.memory_space<vmem>>[vector<16xi32>], vector<16xi32>,
        %bitcast3A_167 = vector.bitcast %gather3A_166 : vector<16xi32> to vector<32xbf16>
        %add3A_168 = arith.addf %broadcast_in_dim3A_21, %bitcast3A_167 : vector<32xbf16>
        %add3A_169 = arith.constant 2000 : i32
        %add3A_170 = vector.broadcast %add3A_169 : i32 to vector<16xi32>
        %add3A_171 = arith.addi %gather3A, %add3A_170 : vector<16xi32>
        %gather3A_172 = tpu.vector_load_idx %arg6[%add3A_171] : memref<5016xi32, #tpu.memory_space<vmem>>[vector<16xi32>], vector<16xi32>,
        %bitcast3A_173 = vector.bitcast %gather3A_172 : vector<16xi32> to vector<32xbf16>
        %add3A_174 = arith.addf %broadcast_in_dim3A_21, %bitcast3A_173 : vector<32xbf16>
        %add3A_175 = arith.constant 3000 : i32
        %add3A_176 = vector.broadcast %add3A_175 : i32 to vector<16xi32>
        %add3A_177 = arith.addi %gather3A, %add3A_176 : vector<16xi32>
        %gather3A_178 = tpu.vector_load_idx %arg6[%add3A_177] : memref<5016xi32, #tpu.memory_space<vmem>>[vector<16xi32>], vector<16xi32>,
        %bitcast3A_179 = vector.bitcast %gather3A_178 : vector<16xi32> to vector<32xbf16>
        %add3A_180 = arith.addf %broadcast_in_dim3A_21, %bitcast3A_179 : vector<32xbf16>
        %add3A_181 = arith.constant 4000 : i32
        %add3A_182 = vector.broadcast %add3A_181 : i32 to vector<16xi32>
        %add3A_183 = arith.addi %gather3A, %add3A_182 : vector<16xi32>
        %gather3A_184 = tpu.vector_load_idx %arg6[%add3A_183] : memref<5016xi32, #tpu.memory_space<vmem>>[vector<16xi32>], vector<16xi32>,
        %bitcast3A_185 = vector.bitcast %gather3A_184 : vector<16xi32> to vector<32xbf16>
        %add3A_186 = arith.addf %broadcast_in_dim3A_21, %bitcast3A_185 : vector<32xbf16>
        %add3A_187 = arith.constant 1 : i32
        %add3A_188 = arith.addi %mul3A_152, %add3A_187 : i32
        %add3A_189 = vector.broadcast %add3A_188 : i32 to vector<16xi32>
        %add3A_190 = arith.addi %mul3A_49, %add3A_189 : vector<16xi32>
        %gather3A_191 = tpu.vector_load_idx %arg5[%add3A_190] : memref<102400xi32, #tpu.memory_space<vmem>>[vector<16xi32>], vector<16xi32>,
        %add3A_192 = arith.constant 0 : i32
        %add3A_193 = vector.broadcast %add3A_192 : i32 to vector<16xi32>
        %add3A_194 = arith.addi %gather3A_191, %add3A_193 : vector<16xi32>
        %gather3A_195 = tpu.vector_load_idx %arg6[%add3A_194] : memref<5016xi32, #tpu.memory_space<vmem>>[vector<16xi32>], vector<16xi32>,
        %bitcast3A_196 = vector.bitcast %gather3A_195 : vector<16xi32> to vector<32xbf16>
        %add3A_197 = arith.addf %add3A_162, %bitcast3A_196 : vector<32xbf16>
        %add3A_198 = arith.constant 1000 : i32
        %add3A_199 = vector.broadcast %add3A_198 : i32 to vector<16xi32>
        %add3A_200 = arith.addi %gather3A_191, %add3A_199 : vector<16xi32>
        %gather3A_201 = tpu.vector_load_idx %arg6[%add3A_200] : memref<5016xi32, #tpu.memory_space<vmem>>[vector<16xi32>], vector<16xi32>,
        %bitcast3A_202 = vector.bitcast %gather3A_201 : vector<16xi32> to vector<32xbf16>
        %add3A_203 = arith.addf %add3A_168, %bitcast3A_202 : vector<32xbf16>
        %add3A_204 = arith.constant 2000 : i32
        %add3A_205 = vector.broadcast %add3A_204 : i32 to vector<16xi32>
        %add3A_206 = arith.addi %gather3A_191, %add3A_205 : vector<16xi32>
        %gather3A_207 = tpu.vector_load_idx %arg6[%add3A_206] : memref<5016xi32, #tpu.memory_space<vmem>>[vector<16xi32>], vector<16xi32>,
        %bitcast3A_208 = vector.bitcast %gather3A_207 : vector<16xi32> to vector<32xbf16>
        %add3A_209 = arith.addf %add3A_174, %bitcast3A_208 : vector<32xbf16>
        %add3A_210 = arith.constant 3000 : i32
        %add3A_211 = vector.broadcast %add3A_210 : i32 to vector<16xi32>
        %add3A_212 = arith.addi %gather3A_191, %add3A_211 : vector<16xi32>
        %gather3A_213 = tpu.vector_load_idx %arg6[%add3A_212] : memref<5016xi32, #tpu.memory_space<vmem>>[vector<16xi32>], vector<16xi32>,
        %bitcast3A_214 = vector.bitcast %gather3A_213 : vector<16xi32> to vector<32xbf16>
        %add3A_215 = arith.addf %add3A_180, %bitcast3A_214 : vector<32xbf16>
        %add3A_216 = arith.constant 4000 : i32
        %add3A_217 = vector.broadcast %add3A_216 : i32 to vector<16xi32>
        %add3A_218 = arith.addi %gather3A_191, %add3A_217 : vector<16xi32>
        %gather3A_219 = tpu.vector_load_idx %arg6[%add3A_218] : memref<5016xi32, #tpu.memory_space<vmem>>[vector<16xi32>], vector<16xi32>,
        %bitcast3A_220 = vector.bitcast %gather3A_219 : vector<16xi32> to vector<32xbf16>
        %add3A_221 = arith.addf %add3A_186, %bitcast3A_220 : vector<32xbf16>
        %add3A_222 = arith.constant 2 : i32
        %add3A_223 = arith.addi %mul3A_152, %add3A_222 : i32
        %add3A_224 = vector.broadcast %add3A_223 : i32 to vector<16xi32>
        %add3A_225 = arith.addi %mul3A_49, %add3A_224 : vector<16xi32>
        %gather3A_226 = tpu.vector_load_idx %arg5[%add3A_225] : memref<102400xi32, #tpu.memory_space<vmem>>[vector<16xi32>], vector<16xi32>,
        %add3A_227 = arith.constant 0 : i32
        %add3A_228 = vector.broadcast %add3A_227 : i32 to vector<16xi32>
        %add3A_229 = arith.addi %gather3A_226, %add3A_228 : vector<16xi32>
        %gather3A_230 = tpu.vector_load_idx %arg6[%add3A_229] : memref<5016xi32, #tpu.memory_space<vmem>>[vector<16xi32>], vector<16xi32>,
        %bitcast3A_231 = vector.bitcast %gather3A_230 : vector<16xi32> to vector<32xbf16>
        %add3A_232 = arith.addf %add3A_197, %bitcast3A_231 : vector<32xbf16>
        %add3A_233 = arith.constant 1000 : i32
        %add3A_234 = vector.broadcast %add3A_233 : i32 to vector<16xi32>
        %add3A_235 = arith.addi %gather3A_226, %add3A_234 : vector<16xi32>
        %gather3A_236 = tpu.vector_load_idx %arg6[%add3A_235] : memref<5016xi32, #tpu.memory_space<vmem>>[vector<16xi32>], vector<16xi32>,
        %bitcast3A_237 = vector.bitcast %gather3A_236 : vector<16xi32> to vector<32xbf16>
        %add3A_238 = arith.addf %add3A_203, %bitcast3A_237 : vector<32xbf16>
        %add3A_239 = arith.constant 2000 : i32
        %add3A_240 = vector.broadcast %add3A_239 : i32 to vector<16xi32>
        %add3A_241 = arith.addi %gather3A_226, %add3A_240 : vector<16xi32>
        %gather3A_242 = tpu.vector_load_idx %arg6[%add3A_241] : memref<5016xi32, #tpu.memory_space<vmem>>[vector<16xi32>], vector<16xi32>,
        %bitcast3A_243 = vector.bitcast %gather3A_242 : vector<16xi32> to vector<32xbf16>
        %add3A_244 = arith.addf %add3A_209, %bitcast3A_243 : vector<32xbf16>
        %add3A_245 = arith.constant 3000 : i32
        %add3A_246 = vector.broadcast %add3A_245 : i32 to vector<16xi32>
        %add3A_247 = arith.addi %gather3A_226, %add3A_246 : vector<16xi32>
        %gather3A_248 = tpu.vector_load_idx %arg6[%add3A_247] : memref<5016xi32, #tpu.memory_space<vmem>>[vector<16xi32>], vector<16xi32>,
        %bitcast3A_249 = vector.bitcast %gather3A_248 : vector<16xi32> to vector<32xbf16>
        %add3A_250 = arith.addf %add3A_215, %bitcast3A_249 : vector<32xbf16>
        %add3A_251 = arith.constant 4000 : i32
        %add3A_252 = vector.broadcast %add3A_251 : i32 to vector<16xi32>
        %add3A_253 = arith.addi %gather3A_226, %add3A_252 : vector<16xi32>
        %gather3A_254 = tpu.vector_load_idx %arg6[%add3A_253] : memref<5016xi32, #tpu.memory_space<vmem>>[vector<16xi32>], vector<16xi32>,
        %bitcast3A_255 = vector.bitcast %gather3A_254 : vector<16xi32> to vector<32xbf16>
        %add3A_256 = arith.addf %add3A_221, %bitcast3A_255 : vector<32xbf16>
        %add3A_257 = arith.constant 3 : i32
        %add3A_258 = arith.addi %mul3A_152, %add3A_257 : i32
        %add3A_259 = vector.broadcast %add3A_258 : i32 to vector<16xi32>
        %add3A_260 = arith.addi %mul3A_49, %add3A_259 : vector<16xi32>
        %gather3A_261 = tpu.vector_load_idx %arg5[%add3A_260] : memref<102400xi32, #tpu.memory_space<vmem>>[vector<16xi32>], vector<16xi32>,
        %add3A_262 = arith.constant 0 : i32
        %add3A_263 = vector.broadcast %add3A_262 : i32 to vector<16xi32>
        %add3A_264 = arith.addi %gather3A_261, %add3A_263 : vector<16xi32>
        %gather3A_265 = tpu.vector_load_idx %arg6[%add3A_264] : memref<5016xi32, #tpu.memory_space<vmem>>[vector<16xi32>], vector<16xi32>,
        %bitcast3A_266 = vector.bitcast %gather3A_265 : vector<16xi32> to vector<32xbf16>
        %add3A_267 = arith.addf %add3A_232, %bitcast3A_266 : vector<32xbf16>
        %add3A_268 = arith.constant 1000 : i32
        %add3A_269 = vector.broadcast %add3A_268 : i32 to vector<16xi32>
        %add3A_270 = arith.addi %gather3A_261, %add3A_269 : vector<16xi32>
        %gather3A_271 = tpu.vector_load_idx %arg6[%add3A_270] : memref<5016xi32, #tpu.memory_space<vmem>>[vector<16xi32>], vector<16xi32>,
        %bitcast3A_272 = vector.bitcast %gather3A_271 : vector<16xi32> to vector<32xbf16>
        %add3A_273 = arith.addf %add3A_238, %bitcast3A_272 : vector<32xbf16>
        %add3A_274 = arith.constant 2000 : i32
        %add3A_275 = vector.broadcast %add3A_274 : i32 to vector<16xi32>
        %add3A_276 = arith.addi %gather3A_261, %add3A_275 : vector<16xi32>
        %gather3A_277 = tpu.vector_load_idx %arg6[%add3A_276] : memref<5016xi32, #tpu.memory_space<vmem>>[vector<16xi32>], vector<16xi32>,
        %bitcast3A_278 = vector.bitcast %gather3A_277 : vector<16xi32> to vector<32xbf16>
        %add3A_279 = arith.addf %add3A_244, %bitcast3A_278 : vector<32xbf16>
        %add3A_280 = arith.constant 3000 : i32
        %add3A_281 = vector.broadcast %add3A_280 : i32 to vector<16xi32>
        %add3A_282 = arith.addi %gather3A_261, %add3A_281 : vector<16xi32>
        %gather3A_283 = tpu.vector_load_idx %arg6[%add3A_282] : memref<5016xi32, #tpu.memory_space<vmem>>[vector<16xi32>], vector<16xi32>,
        %bitcast3A_284 = vector.bitcast %gather3A_283 : vector<16xi32> to vector<32xbf16>
        %add3A_285 = arith.addf %add3A_250, %bitcast3A_284 : vector<32xbf16>
        %add3A_286 = arith.constant 4000 : i32
        %add3A_287 = vector.broadcast %add3A_286 : i32 to vector<16xi32>
        %add3A_288 = arith.addi %gather3A_261, %add3A_287 : vector<16xi32>
        %gather3A_289 = tpu.vector_load_idx %arg6[%add3A_288] : memref<5016xi32, #tpu.memory_space<vmem>>[vector<16xi32>], vector<16xi32>,
        %bitcast3A_290 = vector.bitcast %gather3A_289 : vector<16xi32> to vector<32xbf16>
        %add3A_291 = arith.addf %add3A_256, %bitcast3A_290 : vector<32xbf16>
        %add3A_292 = arith.constant 4 : i32
        %add3A_293 = arith.addi %mul3A_152, %add3A_292 : i32
        %add3A_294 = vector.broadcast %add3A_293 : i32 to vector<16xi32>
        %add3A_295 = arith.addi %mul3A_49, %add3A_294 : vector<16xi32>
        %gather3A_296 = tpu.vector_load_idx %arg5[%add3A_295] : memref<102400xi32, #tpu.memory_space<vmem>>[vector<16xi32>], vector<16xi32>,
        %add3A_297 = arith.constant 0 : i32
        %add3A_298 = vector.broadcast %add3A_297 : i32 to vector<16xi32>
        %add3A_299 = arith.addi %gather3A_296, %add3A_298 : vector<16xi32>
        %gather3A_300 = tpu.vector_load_idx %arg6[%add3A_299] : memref<5016xi32, #tpu.memory_space<vmem>>[vector<16xi32>], vector<16xi32>,
        %bitcast3A_301 = vector.bitcast %gather3A_300 : vector<16xi32> to vector<32xbf16>
        %add3A_302 = arith.addf %add3A_267, %bitcast3A_301 : vector<32xbf16>
        %add3A_303 = arith.constant 1000 : i32
        %add3A_304 = vector.broadcast %add3A_303 : i32 to vector<16xi32>
        %add3A_305 = arith.addi %gather3A_296, %add3A_304 : vector<16xi32>
        %gather3A_306 = tpu.vector_load_idx %arg6[%add3A_305] : memref<5016xi32, #tpu.memory_space<vmem>>[vector<16xi32>], vector<16xi32>,
        %bitcast3A_307 = vector.bitcast %gather3A_306 : vector<16xi32> to vector<32xbf16>
        %add3A_308 = arith.addf %add3A_273, %bitcast3A_307 : vector<32xbf16>
        %add3A_309 = arith.constant 2000 : i32
        %add3A_310 = vector.broadcast %add3A_309 : i32 to vector<16xi32>
        %add3A_311 = arith.addi %gather3A_296, %add3A_310 : vector<16xi32>
        %gather3A_312 = tpu.vector_load_idx %arg6[%add3A_311] : memref<5016xi32, #tpu.memory_space<vmem>>[vector<16xi32>], vector<16xi32>,
        %bitcast3A_313 = vector.bitcast %gather3A_312 : vector<16xi32> to vector<32xbf16>
        %add3A_314 = arith.addf %add3A_279, %bitcast3A_313 : vector<32xbf16>
        %add3A_315 = arith.constant 3000 : i32
        %add3A_316 = vector.broadcast %add3A_315 : i32 to vector<16xi32>
        %add3A_317 = arith.addi %gather3A_296, %add3A_316 : vector<16xi32>
        %gather3A_318 = tpu.vector_load_idx %arg6[%add3A_317] : memref<5016xi32, #tpu.memory_space<vmem>>[vector<16xi32>], vector<16xi32>,
        %bitcast3A_319 = vector.bitcast %gather3A_318 : vector<16xi32> to vector<32xbf16>
        %add3A_320 = arith.addf %add3A_285, %bitcast3A_319 : vector<32xbf16>
        %add3A_321 = arith.constant 4000 : i32
        %add3A_322 = vector.broadcast %add3A_321 : i32 to vector<16xi32>
        %add3A_323 = arith.addi %gather3A_296, %add3A_322 : vector<16xi32>
        %gather3A_324 = tpu.vector_load_idx %arg6[%add3A_323] : memref<5016xi32, #tpu.memory_space<vmem>>[vector<16xi32>], vector<16xi32>,
        %bitcast3A_325 = vector.bitcast %gather3A_324 : vector<16xi32> to vector<32xbf16>
        %add3A_326 = arith.addf %add3A_291, %bitcast3A_325 : vector<32xbf16>
        %add3A_327 = arith.constant 5 : i32
        %add3A_328 = arith.addi %mul3A_152, %add3A_327 : i32
        %add3A_329 = vector.broadcast %add3A_328 : i32 to vector<16xi32>
        %add3A_330 = arith.addi %mul3A_49, %add3A_329 : vector<16xi32>
        %gather3A_331 = tpu.vector_load_idx %arg5[%add3A_330] : memref<102400xi32, #tpu.memory_space<vmem>>[vector<16xi32>], vector<16xi32>,
        %add3A_332 = arith.constant 0 : i32
        %add3A_333 = vector.broadcast %add3A_332 : i32 to vector<16xi32>
        %add3A_334 = arith.addi %gather3A_331, %add3A_333 : vector<16xi32>
        %gather3A_335 = tpu.vector_load_idx %arg6[%add3A_334] : memref<5016xi32, #tpu.memory_space<vmem>>[vector<16xi32>], vector<16xi32>,
        %bitcast3A_336 = vector.bitcast %gather3A_335 : vector<16xi32> to vector<32xbf16>
        %add3A_337 = arith.addf %add3A_302, %bitcast3A_336 : vector<32xbf16>
        %add3A_338 = arith.constant 1000 : i32
        %add3A_339 = vector.broadcast %add3A_338 : i32 to vector<16xi32>
        %add3A_340 = arith.addi %gather3A_331, %add3A_339 : vector<16xi32>
        %gather3A_341 = tpu.vector_load_idx %arg6[%add3A_340] : memref<5016xi32, #tpu.memory_space<vmem>>[vector<16xi32>], vector<16xi32>,
        %bitcast3A_342 = vector.bitcast %gather3A_341 : vector<16xi32> to vector<32xbf16>
        %add3A_343 = arith.addf %add3A_308, %bitcast3A_342 : vector<32xbf16>
        %add3A_344 = arith.constant 2000 : i32
        %add3A_345 = vector.broadcast %add3A_344 : i32 to vector<16xi32>
        %add3A_346 = arith.addi %gather3A_331, %add3A_345 : vector<16xi32>
        %gather3A_347 = tpu.vector_load_idx %arg6[%add3A_346] : memref<5016xi32, #tpu.memory_space<vmem>>[vector<16xi32>], vector<16xi32>,
        %bitcast3A_348 = vector.bitcast %gather3A_347 : vector<16xi32> to vector<32xbf16>
        %add3A_349 = arith.addf %add3A_314, %bitcast3A_348 : vector<32xbf16>
        %add3A_350 = arith.constant 3000 : i32
        %add3A_351 = vector.broadcast %add3A_350 : i32 to vector<16xi32>
        %add3A_352 = arith.addi %gather3A_331, %add3A_351 : vector<16xi32>
        %gather3A_353 = tpu.vector_load_idx %arg6[%add3A_352] : memref<5016xi32, #tpu.memory_space<vmem>>[vector<16xi32>], vector<16xi32>,
        %bitcast3A_354 = vector.bitcast %gather3A_353 : vector<16xi32> to vector<32xbf16>
        %add3A_355 = arith.addf %add3A_320, %bitcast3A_354 : vector<32xbf16>
        %add3A_356 = arith.constant 4000 : i32
        %add3A_357 = vector.broadcast %add3A_356 : i32 to vector<16xi32>
        %add3A_358 = arith.addi %gather3A_331, %add3A_357 : vector<16xi32>
        %gather3A_359 = tpu.vector_load_idx %arg6[%add3A_358] : memref<5016xi32, #tpu.memory_space<vmem>>[vector<16xi32>], vector<16xi32>,
        %bitcast3A_360 = vector.bitcast %gather3A_359 : vector<16xi32> to vector<32xbf16>
        %add3A_361 = arith.addf %add3A_326, %bitcast3A_360 : vector<32xbf16>
        %add3A_362 = arith.constant 6 : i32
        %add3A_363 = arith.addi %mul3A_152, %add3A_362 : i32
        %add3A_364 = vector.broadcast %add3A_363 : i32 to vector<16xi32>
        %add3A_365 = arith.addi %mul3A_49, %add3A_364 : vector<16xi32>
        %gather3A_366 = tpu.vector_load_idx %arg5[%add3A_365] : memref<102400xi32, #tpu.memory_space<vmem>>[vector<16xi32>], vector<16xi32>,
        %add3A_367 = arith.constant 0 : i32
        %add3A_368 = vector.broadcast %add3A_367 : i32 to vector<16xi32>
        %add3A_369 = arith.addi %gather3A_366, %add3A_368 : vector<16xi32>
        %gather3A_370 = tpu.vector_load_idx %arg6[%add3A_369] : memref<5016xi32, #tpu.memory_space<vmem>>[vector<16xi32>], vector<16xi32>,
        %bitcast3A_371 = vector.bitcast %gather3A_370 : vector<16xi32> to vector<32xbf16>
        %add3A_372 = arith.addf %add3A_337, %bitcast3A_371 : vector<32xbf16>
        %add3A_373 = arith.constant 1000 : i32
        %add3A_374 = vector.broadcast %add3A_373 : i32 to vector<16xi32>
        %add3A_375 = arith.addi %gather3A_366, %add3A_374 : vector<16xi32>
        %gather3A_376 = tpu.vector_load_idx %arg6[%add3A_375] : memref<5016xi32, #tpu.memory_space<vmem>>[vector<16xi32>], vector<16xi32>,
        %bitcast3A_377 = vector.bitcast %gather3A_376 : vector<16xi32> to vector<32xbf16>
        %add3A_378 = arith.addf %add3A_343, %bitcast3A_377 : vector<32xbf16>
        %add3A_379 = arith.constant 2000 : i32
        %add3A_380 = vector.broadcast %add3A_379 : i32 to vector<16xi32>
        %add3A_381 = arith.addi %gather3A_366, %add3A_380 : vector<16xi32>
        %gather3A_382 = tpu.vector_load_idx %arg6[%add3A_381] : memref<5016xi32, #tpu.memory_space<vmem>>[vector<16xi32>], vector<16xi32>,
        %bitcast3A_383 = vector.bitcast %gather3A_382 : vector<16xi32> to vector<32xbf16>
        %add3A_384 = arith.addf %add3A_349, %bitcast3A_383 : vector<32xbf16>
        %add3A_385 = arith.constant 3000 : i32
        %add3A_386 = vector.broadcast %add3A_385 : i32 to vector<16xi32>
        %add3A_387 = arith.addi %gather3A_366, %add3A_386 : vector<16xi32>
        %gather3A_388 = tpu.vector_load_idx %arg6[%add3A_387] : memref<5016xi32, #tpu.memory_space<vmem>>[vector<16xi32>], vector<16xi32>,
        %bitcast3A_389 = vector.bitcast %gather3A_388 : vector<16xi32> to vector<32xbf16>
        %add3A_390 = arith.addf %add3A_355, %bitcast3A_389 : vector<32xbf16>
        %add3A_391 = arith.constant 4000 : i32
        %add3A_392 = vector.broadcast %add3A_391 : i32 to vector<16xi32>
        %add3A_393 = arith.addi %gather3A_366, %add3A_392 : vector<16xi32>
        %gather3A_394 = tpu.vector_load_idx %arg6[%add3A_393] : memref<5016xi32, #tpu.memory_space<vmem>>[vector<16xi32>], vector<16xi32>,
        %bitcast3A_395 = vector.bitcast %gather3A_394 : vector<16xi32> to vector<32xbf16>
        %add3A_396 = arith.addf %add3A_361, %bitcast3A_395 : vector<32xbf16>
        %add3A_397 = arith.constant 7 : i32
        %add3A_398 = arith.addi %mul3A_152, %add3A_397 : i32
        %add3A_399 = vector.broadcast %add3A_398 : i32 to vector<16xi32>
        %add3A_400 = arith.addi %mul3A_49, %add3A_399 : vector<16xi32>
        %gather3A_401 = tpu.vector_load_idx %arg5[%add3A_400] : memref<102400xi32, #tpu.memory_space<vmem>>[vector<16xi32>], vector<16xi32>,
        %add3A_402 = arith.constant 0 : i32
        %add3A_403 = vector.broadcast %add3A_402 : i32 to vector<16xi32>
        %add3A_404 = arith.addi %gather3A_401, %add3A_403 : vector<16xi32>
        %gather3A_405 = tpu.vector_load_idx %arg6[%add3A_404] : memref<5016xi32, #tpu.memory_space<vmem>>[vector<16xi32>], vector<16xi32>,
        %bitcast3A_406 = vector.bitcast %gather3A_405 : vector<16xi32> to vector<32xbf16>
        %add3A_407 = arith.addf %add3A_372, %bitcast3A_406 : vector<32xbf16>
        %add3A_408 = arith.constant 1000 : i32
        %add3A_409 = vector.broadcast %add3A_408 : i32 to vector<16xi32>
        %add3A_410 = arith.addi %gather3A_401, %add3A_409 : vector<16xi32>
        %gather3A_411 = tpu.vector_load_idx %arg6[%add3A_410] : memref<5016xi32, #tpu.memory_space<vmem>>[vector<16xi32>], vector<16xi32>,
        %bitcast3A_412 = vector.bitcast %gather3A_411 : vector<16xi32> to vector<32xbf16>
        %add3A_413 = arith.addf %add3A_378, %bitcast3A_412 : vector<32xbf16>
        %add3A_414 = arith.constant 2000 : i32
        %add3A_415 = vector.broadcast %add3A_414 : i32 to vector<16xi32>
        %add3A_416 = arith.addi %gather3A_401, %add3A_415 : vector<16xi32>
        %gather3A_417 = tpu.vector_load_idx %arg6[%add3A_416] : memref<5016xi32, #tpu.memory_space<vmem>>[vector<16xi32>], vector<16xi32>,
        %bitcast3A_418 = vector.bitcast %gather3A_417 : vector<16xi32> to vector<32xbf16>
        %add3A_419 = arith.addf %add3A_384, %bitcast3A_418 : vector<32xbf16>
        %add3A_420 = arith.constant 3000 : i32
        %add3A_421 = vector.broadcast %add3A_420 : i32 to vector<16xi32>
        %add3A_422 = arith.addi %gather3A_401, %add3A_421 : vector<16xi32>
        %gather3A_423 = tpu.vector_load_idx %arg6[%add3A_422] : memref<5016xi32, #tpu.memory_space<vmem>>[vector<16xi32>], vector<16xi32>,
        %bitcast3A_424 = vector.bitcast %gather3A_423 : vector<16xi32> to vector<32xbf16>
        %add3A_425 = arith.addf %add3A_390, %bitcast3A_424 : vector<32xbf16>
        %add3A_426 = arith.constant 4000 : i32
        %add3A_427 = vector.broadcast %add3A_426 : i32 to vector<16xi32>
        %add3A_428 = arith.addi %gather3A_401, %add3A_427 : vector<16xi32>
        %gather3A_429 = tpu.vector_load_idx %arg6[%add3A_428] : memref<5016xi32, #tpu.memory_space<vmem>>[vector<16xi32>], vector<16xi32>,
        %bitcast3A_430 = vector.bitcast %gather3A_429 : vector<16xi32> to vector<32xbf16>
        %add3A_431 = arith.addf %add3A_396, %bitcast3A_430 : vector<32xbf16>
        %bitcast3A_432 = vector.bitcast %add3A_407 : vector<32xbf16> to vector<16xi32>
        %shift_left3A = arith.constant 16 : i32
        %shift_left3A_433 = vector.broadcast %shift_left3A : i32 to vector<16xi32>
        %shift_left3A_434 = arith.shli %bitcast3A_432, %shift_left3A_433 : vector<16xi32>
        %bitcast3A_435 = vector.bitcast %shift_left3A_434 : vector<16xi32> to vector<16xf32>
        %add3A_436 = arith.addf %scan3A_142, %bitcast3A_435 : vector<16xf32>
        %and3A = arith.constant -65536 : i32
        %and3A_437 = vector.broadcast %and3A : i32 to vector<16xi32>
        %and3A_438 = arith.andi %bitcast3A_432, %and3A_437 : vector<16xi32>
        %bitcast3A_439 = vector.bitcast %and3A_438 : vector<16xi32> to vector<16xf32>
        %add3A_440 = arith.addf %scan3A_143, %bitcast3A_439 : vector<16xf32>
        %bitcast3A_441 = vector.bitcast %add3A_413 : vector<32xbf16> to vector<16xi32>
        %shift_left3A_442 = arith.constant 16 : i32
        %shift_left3A_443 = vector.broadcast %shift_left3A_442 : i32 to vector<16xi32>
        %shift_left3A_444 = arith.shli %bitcast3A_441, %shift_left3A_443 : vector<16xi32>
        %bitcast3A_445 = vector.bitcast %shift_left3A_444 : vector<16xi32> to vector<16xf32>
        %add3A_446 = arith.addf %scan3A_144, %bitcast3A_445 : vector<16xf32>
        %and3A_447 = arith.constant -65536 : i32
        %and3A_448 = vector.broadcast %and3A_447 : i32 to vector<16xi32>
        %and3A_449 = arith.andi %bitcast3A_441, %and3A_448 : vector<16xi32>
        %bitcast3A_450 = vector.bitcast %and3A_449 : vector<16xi32> to vector<16xf32>
        %add3A_451 = arith.addf %scan3A_145, %bitcast3A_450 : vector<16xf32>
        %bitcast3A_452 = vector.bitcast %add3A_419 : vector<32xbf16> to vector<16xi32>
        %shift_left3A_453 = arith.constant 16 : i32
        %shift_left3A_454 = vector.broadcast %shift_left3A_453 : i32 to vector<16xi32>
        %shift_left3A_455 = arith.shli %bitcast3A_452, %shift_left3A_454 : vector<16xi32>
        %bitcast3A_456 = vector.bitcast %shift_left3A_455 : vector<16xi32> to vector<16xf32>
        %add3A_457 = arith.addf %scan3A_146, %bitcast3A_456 : vector<16xf32>
        %and3A_458 = arith.constant -65536 : i32
        %and3A_459 = vector.broadcast %and3A_458 : i32 to vector<16xi32>
        %and3A_460 = arith.andi %bitcast3A_452, %and3A_459 : vector<16xi32>
        %bitcast3A_461 = vector.bitcast %and3A_460 : vector<16xi32> to vector<16xf32>
        %add3A_462 = arith.addf %scan3A_147, %bitcast3A_461 : vector<16xf32>
        %bitcast3A_463 = vector.bitcast %add3A_425 : vector<32xbf16> to vector<16xi32>
        %shift_left3A_464 = arith.constant 16 : i32
        %shift_left3A_465 = vector.broadcast %shift_left3A_464 : i32 to vector<16xi32>
        %shift_left3A_466 = arith.shli %bitcast3A_463, %shift_left3A_465 : vector<16xi32>
        %bitcast3A_467 = vector.bitcast %shift_left3A_466 : vector<16xi32> to vector<16xf32>
        %add3A_468 = arith.addf %scan3A_148, %bitcast3A_467 : vector<16xf32>
        %and3A_469 = arith.constant -65536 : i32
        %and3A_470 = vector.broadcast %and3A_469 : i32 to vector<16xi32>
        %and3A_471 = arith.andi %bitcast3A_463, %and3A_470 : vector<16xi32>
        %bitcast3A_472 = vector.bitcast %and3A_471 : vector<16xi32> to vector<16xf32>
        %add3A_473 = arith.addf %scan3A_149, %bitcast3A_472 : vector<16xf32>
        %bitcast3A_474 = vector.bitcast %add3A_431 : vector<32xbf16> to vector<16xi32>
        %shift_left3A_475 = arith.constant 16 : i32
        %shift_left3A_476 = vector.broadcast %shift_left3A_475 : i32 to vector<16xi32>
        %shift_left3A_477 = arith.shli %bitcast3A_474, %shift_left3A_476 : vector<16xi32>
        %bitcast3A_478 = vector.bitcast %shift_left3A_477 : vector<16xi32> to vector<16xf32>
        %add3A_479 = arith.addf %scan3A_150, %bitcast3A_478 : vector<16xf32>
        scf.yield %add3A_436, %add3A_440, %add3A_446, %add3A_451, %add3A_457, %add3A_462, %add3A_468, %add3A_473, %add3A_479 : vector<16xf32>, vector<16xf32>, vector<16xf32>, vector<16xf32>, vector<16xf32>, vector<16xf32>, vector<16xf32>, vector<16xf32>, vector<16xf32>
      }
      %scan3A_80 = arith.constant 25 : i32
      %max3A = arith.maximumf %scan3A_79#0, %scan3A_79#1 : vector<16xf32>
      %max3A_81 = arith.maximumf %max3A, %scan3A_79#2 : vector<16xf32>
      %max3A_82 = arith.maximumf %max3A_81, %scan3A_79#3 : vector<16xf32>
      %max3A_83 = arith.maximumf %max3A_82, %scan3A_79#4 : vector<16xf32>
      %max3A_84 = arith.maximumf %max3A_83, %scan3A_79#5 : vector<16xf32>
      %max3A_85 = arith.maximumf %max3A_84, %scan3A_79#6 : vector<16xf32>
      %max3A_86 = arith.maximumf %max3A_85, %scan3A_79#7 : vector<16xf32>
      %max3A_87 = arith.maximumf %max3A_86, %scan3A_79#8 : vector<16xf32>
      %sub3A = arith.subf %scan3A_79#0, %max3A_87 : vector<16xf32>
      %exp3A = math.exp %sub3A : vector<16xf32>
      %sub3A_88 = arith.subf %scan3A_79#1, %max3A_87 : vector<16xf32>
      %exp3A_89 = math.exp %sub3A_88 : vector<16xf32>
      %sub3A_90 = arith.subf %scan3A_79#2, %max3A_87 : vector<16xf32>
      %exp3A_91 = math.exp %sub3A_90 : vector<16xf32>
      %sub3A_92 = arith.subf %scan3A_79#3, %max3A_87 : vector<16xf32>
      %exp3A_93 = math.exp %sub3A_92 : vector<16xf32>
      %sub3A_94 = arith.subf %scan3A_79#4, %max3A_87 : vector<16xf32>
      %exp3A_95 = math.exp %sub3A_94 : vector<16xf32>
      %sub3A_96 = arith.subf %scan3A_79#5, %max3A_87 : vector<16xf32>
      %exp3A_97 = math.exp %sub3A_96 : vector<16xf32>
      %sub3A_98 = arith.subf %scan3A_79#6, %max3A_87 : vector<16xf32>
      %exp3A_99 = math.exp %sub3A_98 : vector<16xf32>
      %sub3A_100 = arith.subf %scan3A_79#7, %max3A_87 : vector<16xf32>
      %exp3A_101 = math.exp %sub3A_100 : vector<16xf32>
      %sub3A_102 = arith.subf %scan3A_79#8, %max3A_87 : vector<16xf32>
      %exp3A_103 = math.exp %sub3A_102 : vector<16xf32>
      %add3A_104 = arith.addf %exp3A, %exp3A_89 : vector<16xf32>
      %add3A_105 = arith.addf %add3A_104, %exp3A_91 : vector<16xf32>
      %add3A_106 = arith.addf %add3A_105, %exp3A_93 : vector<16xf32>
      %add3A_107 = arith.addf %add3A_106, %exp3A_95 : vector<16xf32>
      %add3A_108 = arith.addf %add3A_107, %exp3A_97 : vector<16xf32>
      %add3A_109 = arith.addf %add3A_108, %exp3A_99 : vector<16xf32>
      %add3A_110 = arith.addf %add3A_109, %exp3A_101 : vector<16xf32>
      %add3A_111 = arith.addf %add3A_110, %exp3A_103 : vector<16xf32>
      %div3A = arith.constant 1.000000e+00 : f32
      %div3A_112 = vector.broadcast %div3A : f32 to vector<16xf32>
      %div3A_113 = arith.divf %div3A_112, %add3A_111 : vector<16xf32>
      %broadcast_in_dim3A_114 = arith.constant 0 : i32
      %broadcast_in_dim3A_115 = vector.broadcast %broadcast_in_dim3A_114 : i32 to vector<16xi32>
      %mul3A_116 = arith.mulf %exp3A, %div3A_113 : vector<16xf32>
      tpu.vector_store_idx %arg7[%add3A_46, %broadcast_in_dim3A_115], %mul3A_116 : memref<512x9xf32, #tpu.memory_space<vmem>>[vector<16xi32>, vector<16xi32>], vector<16xf32>,
      %broadcast_in_dim3A_117 = arith.constant 1 : i32
      %broadcast_in_dim3A_118 = vector.broadcast %broadcast_in_dim3A_117 : i32 to vector<16xi32>
      %mul3A_119 = arith.mulf %exp3A_89, %div3A_113 : vector<16xf32>
      tpu.vector_store_idx %arg7[%add3A_46, %broadcast_in_dim3A_118], %mul3A_119 : memref<512x9xf32, #tpu.memory_space<vmem>>[vector<16xi32>, vector<16xi32>], vector<16xf32>,
      %broadcast_in_dim3A_120 = arith.constant 2 : i32
      %broadcast_in_dim3A_121 = vector.broadcast %broadcast_in_dim3A_120 : i32 to vector<16xi32>
      %mul3A_122 = arith.mulf %exp3A_91, %div3A_113 : vector<16xf32>
      tpu.vector_store_idx %arg7[%add3A_46, %broadcast_in_dim3A_121], %mul3A_122 : memref<512x9xf32, #tpu.memory_space<vmem>>[vector<16xi32>, vector<16xi32>], vector<16xf32>,
      %broadcast_in_dim3A_123 = arith.constant 3 : i32
      %broadcast_in_dim3A_124 = vector.broadcast %broadcast_in_dim3A_123 : i32 to vector<16xi32>
      %mul3A_125 = arith.mulf %exp3A_93, %div3A_113 : vector<16xf32>
      tpu.vector_store_idx %arg7[%add3A_46, %broadcast_in_dim3A_124], %mul3A_125 : memref<512x9xf32, #tpu.memory_space<vmem>>[vector<16xi32>, vector<16xi32>], vector<16xf32>,
      %broadcast_in_dim3A_126 = arith.constant 4 : i32
      %broadcast_in_dim3A_127 = vector.broadcast %broadcast_in_dim3A_126 : i32 to vector<16xi32>
      %mul3A_128 = arith.mulf %exp3A_95, %div3A_113 : vector<16xf32>
      tpu.vector_store_idx %arg7[%add3A_46, %broadcast_in_dim3A_127], %mul3A_128 : memref<512x9xf32, #tpu.memory_space<vmem>>[vector<16xi32>, vector<16xi32>], vector<16xf32>,
      %broadcast_in_dim3A_129 = arith.constant 5 : i32
      %broadcast_in_dim3A_130 = vector.broadcast %broadcast_in_dim3A_129 : i32 to vector<16xi32>
      %mul3A_131 = arith.mulf %exp3A_97, %div3A_113 : vector<16xf32>
      tpu.vector_store_idx %arg7[%add3A_46, %broadcast_in_dim3A_130], %mul3A_131 : memref<512x9xf32, #tpu.memory_space<vmem>>[vector<16xi32>, vector<16xi32>], vector<16xf32>,
      %broadcast_in_dim3A_132 = arith.constant 6 : i32
      %broadcast_in_dim3A_133 = vector.broadcast %broadcast_in_dim3A_132 : i32 to vector<16xi32>
      %mul3A_134 = arith.mulf %exp3A_99, %div3A_113 : vector<16xf32>
      tpu.vector_store_idx %arg7[%add3A_46, %broadcast_in_dim3A_133], %mul3A_134 : memref<512x9xf32, #tpu.memory_space<vmem>>[vector<16xi32>, vector<16xi32>], vector<16xf32>,
      %broadcast_in_dim3A_135 = arith.constant 7 : i32
      %broadcast_in_dim3A_136 = vector.broadcast %broadcast_in_dim3A_135 : i32 to vector<16xi32>
      %mul3A_137 = arith.mulf %exp3A_101, %div3A_113 : vector<16xf32>
      tpu.vector_store_idx %arg7[%add3A_46, %broadcast_in_dim3A_136], %mul3A_137 : memref<512x9xf32, #tpu.memory_space<vmem>>[vector<16xi32>, vector<16xi32>], vector<16xf32>,
      %broadcast_in_dim3A_138 = arith.constant 8 : i32
      %broadcast_in_dim3A_139 = vector.broadcast %broadcast_in_dim3A_138 : i32 to vector<16xi32>
      %mul3A_140 = arith.mulf %exp3A_103, %div3A_113 : vector<16xf32>
      tpu.vector_store_idx %arg7[%add3A_46, %broadcast_in_dim3A_139], %mul3A_140 : memref<512x9xf32, #tpu.memory_space<vmem>>[vector<16xi32>, vector<16xi32>], vector<16xf32>,
    }
    %scan3A_30 = arith.constant 16 : i32
    %dma_wait3A_31 = arith.constant 51200 : i32
    %dma_wait3A_32 = tpu.memref_slice %arg5[%dma_wait3A_31] : memref<102400xi32, #tpu.memory_space<vmem>> -> memref<51200xi32, #tpu.memory_space<vmem>>
    %dma_wait3A_33 = tpu.memref_slice %arg2[%add3A_13] : memref<3276800xi32, #tpu.memory_space<hbm>> -> memref<51200xi32, #tpu.memory_space<hbm>>
    %dma_wait3A_34 = arith.constant 51200 : i32
    %dma_wait3A_35 = tpu.memref_slice %arg5[%dma_wait3A_34] : memref<102400xi32, #tpu.memory_space<vmem>> -> memref<51200xi32, #tpu.memory_space<vmem>>
    %dma_wait3A_36 = tpu.memref_slice %arg2[%add3A_13] : memref<3276800xi32, #tpu.memory_space<hbm>> -> memref<51200xi32, #tpu.memory_space<hbm>>
    tpu.wait_dma2 semaphore(%arg9 : memref<!tpu.dma_semaphore, #tpu.memory_space<semaphore_mem>>) src(%dma_wait3A_36 : memref<51200xi32, #tpu.memory_space<hbm>>) dst(%dma_wait3A_35 : memref<51200xi32, #tpu.memory_space<vmem>>)
    %scan3A_37 = arith.constant 16 : i32
    %scan3A_38 = arith.constant 16 : i32
    %scan3A_39 = arith.addi %scan3A_37, %scan3A_38 : i32
    %scan3A_40 = arith.constant 1 : i32
    scf.for %scan3A_42 = %scan3A_37 to %scan3A_39 step %scan3A_40  : i32 {
      %mul3A_43 = arith.constant 16 : i32
      %mul3A_44 = arith.muli %scan3A_42, %mul3A_43 : i32
      %add3A_45 = vector.broadcast %mul3A_44 : i32 to vector<16xi32>
      %add3A_46 = arith.addi %add3A_45, %iota3A : vector<16xi32>
      %mul3A_47 = arith.constant 200 : i32
      %mul3A_48 = vector.broadcast %mul3A_47 : i32 to vector<16xi32>
      %mul3A_49 = arith.muli %add3A_46, %mul3A_48 : vector<16xi32>
      %slice3A = vector.extract_strided_slice %bitcast3A {offsets = [0], sizes = [1], strides = [1]} : vector<16xf32> to vector<1xf32>
      %squeeze3A = vector.extract %slice3A[0] : f32 from vector<1xf32>
      %broadcast_in_dim3A_50 = vector.broadcast %squeeze3A : f32 to vector<16xf32>
      %slice3A_51 = vector.extract_strided_slice %bitcast3A {offsets = [1], sizes = [1], strides = [1]} : vector<16xf32> to vector<1xf32>
      %squeeze3A_52 = vector.extract %slice3A_51[0] : f32 from vector<1xf32>
      %broadcast_in_dim3A_53 = vector.broadcast %squeeze3A_52 : f32 to vector<16xf32>
      %slice3A_54 = vector.extract_strided_slice %bitcast3A {offsets = [2], sizes = [1], strides = [1]} : vector<16xf32> to vector<1xf32>
      %squeeze3A_55 = vector.extract %slice3A_54[0] : f32 from vector<1xf32>
      %broadcast_in_dim3A_56 = vector.broadcast %squeeze3A_55 : f32 to vector<16xf32>
      %slice3A_57 = vector.extract_strided_slice %bitcast3A {offsets = [3], sizes = [1], strides = [1]} : vector<16xf32> to vector<1xf32>
      %squeeze3A_58 = vector.extract %slice3A_57[0] : f32 from vector<1xf32>
      %broadcast_in_dim3A_59 = vector.broadcast %squeeze3A_58 : f32 to vector<16xf32>
      %slice3A_60 = vector.extract_strided_slice %bitcast3A {offsets = [4], sizes = [1], strides = [1]} : vector<16xf32> to vector<1xf32>
      %squeeze3A_61 = vector.extract %slice3A_60[0] : f32 from vector<1xf32>
      %broadcast_in_dim3A_62 = vector.broadcast %squeeze3A_61 : f32 to vector<16xf32>
      %slice3A_63 = vector.extract_strided_slice %bitcast3A {offsets = [5], sizes = [1], strides = [1]} : vector<16xf32> to vector<1xf32>
      %squeeze3A_64 = vector.extract %slice3A_63[0] : f32 from vector<1xf32>
      %broadcast_in_dim3A_65 = vector.broadcast %squeeze3A_64 : f32 to vector<16xf32>
      %slice3A_66 = vector.extract_strided_slice %bitcast3A {offsets = [6], sizes = [1], strides = [1]} : vector<16xf32> to vector<1xf32>
      %squeeze3A_67 = vector.extract %slice3A_66[0] : f32 from vector<1xf32>
      %broadcast_in_dim3A_68 = vector.broadcast %squeeze3A_67 : f32 to vector<16xf32>
      %slice3A_69 = vector.extract_strided_slice %bitcast3A {offsets = [7], sizes = [1], strides = [1]} : vector<16xf32> to vector<1xf32>
      %squeeze3A_70 = vector.extract %slice3A_69[0] : f32 from vector<1xf32>
      %broadcast_in_dim3A_71 = vector.broadcast %squeeze3A_70 : f32 to vector<16xf32>
      %slice3A_72 = vector.extract_strided_slice %bitcast3A {offsets = [8], sizes = [1], strides = [1]} : vector<16xf32> to vector<1xf32>
      %squeeze3A_73 = vector.extract %slice3A_72[0] : f32 from vector<1xf32>
      %broadcast_in_dim3A_74 = vector.broadcast %squeeze3A_73 : f32 to vector<16xf32>
      %scan3A_75 = arith.constant 0 : i32
      %scan3A_76 = arith.constant 25 : i32
      %scan3A_77 = arith.addi %scan3A_75, %scan3A_76 : i32
      %scan3A_78 = arith.constant 1 : i32
      %scan3A_79:9 = scf.for %scan3A_141 = %scan3A_75 to %scan3A_77 step %scan3A_78 iter_args(%scan3A_142 = %broadcast_in_dim3A_50, %scan3A_143 = %broadcast_in_dim3A_53, %scan3A_144 = %broadcast_in_dim3A_56, %scan3A_145 = %broadcast_in_dim3A_59, %scan3A_146 = %broadcast_in_dim3A_62, %scan3A_147 = %broadcast_in_dim3A_65, %scan3A_148 = %broadcast_in_dim3A_68, %scan3A_149 = %broadcast_in_dim3A_71, %scan3A_150 = %broadcast_in_dim3A_74) -> (vector<16xf32>, vector<16xf32>, vector<16xf32>, vector<16xf32>, vector<16xf32>, vector<16xf32>, vector<16xf32>, vector<16xf32>, vector<16xf32>)  : i32 {
        %mul3A_151 = arith.constant 8 : i32
        %mul3A_152 = arith.muli %scan3A_141, %mul3A_151 : i32
        %add3A_153 = arith.constant 0 : i32
        %add3A_154 = arith.addi %mul3A_152, %add3A_153 : i32
        %add3A_155 = vector.broadcast %add3A_154 : i32 to vector<16xi32>
        %add3A_156 = arith.addi %mul3A_49, %add3A_155 : vector<16xi32>
        %gather3A = tpu.vector_load_idx %arg5[%add3A_156] : memref<102400xi32, #tpu.memory_space<vmem>>[vector<16xi32>], vector<16xi32>,
        %add3A_157 = arith.constant 0 : i32
        %add3A_158 = vector.broadcast %add3A_157 : i32 to vector<16xi32>
        %add3A_159 = arith.addi %gather3A, %add3A_158 : vector<16xi32>
        %gather3A_160 = tpu.vector_load_idx %arg6[%add3A_159] : memref<5016xi32, #tpu.memory_space<vmem>>[vector<16xi32>], vector<16xi32>,
        %bitcast3A_161 = vector.bitcast %gather3A_160 : vector<16xi32> to vector<32xbf16>
        %add3A_162 = arith.addf %broadcast_in_dim3A_21, %bitcast3A_161 : vector<32xbf16>
        %add3A_163 = arith.constant 1000 : i32
        %add3A_164 = vector.broadcast %add3A_163 : i32 to vector<16xi32>
        %add3A_165 = arith.addi %gather3A, %add3A_164 : vector<16xi32>
        %gather3A_166 = tpu.vector_load_idx %arg6[%add3A_165] : memref<5016xi32, #tpu.memory_space<vmem>>[vector<16xi32>], vector<16xi32>,
        %bitcast3A_167 = vector.bitcast %gather3A_166 : vector<16xi32> to vector<32xbf16>
        %add3A_168 = arith.addf %broadcast_in_dim3A_21, %bitcast3A_167 : vector<32xbf16>
        %add3A_169 = arith.constant 2000 : i32
        %add3A_170 = vector.broadcast %add3A_169 : i32 to vector<16xi32>
        %add3A_171 = arith.addi %gather3A, %add3A_170 : vector<16xi32>
        %gather3A_172 = tpu.vector_load_idx %arg6[%add3A_171] : memref<5016xi32, #tpu.memory_space<vmem>>[vector<16xi32>], vector<16xi32>,
        %bitcast3A_173 = vector.bitcast %gather3A_172 : vector<16xi32> to vector<32xbf16>
        %add3A_174 = arith.addf %broadcast_in_dim3A_21, %bitcast3A_173 : vector<32xbf16>
        %add3A_175 = arith.constant 3000 : i32
        %add3A_176 = vector.broadcast %add3A_175 : i32 to vector<16xi32>
        %add3A_177 = arith.addi %gather3A, %add3A_176 : vector<16xi32>
        %gather3A_178 = tpu.vector_load_idx %arg6[%add3A_177] : memref<5016xi32, #tpu.memory_space<vmem>>[vector<16xi32>], vector<16xi32>,
        %bitcast3A_179 = vector.bitcast %gather3A_178 : vector<16xi32> to vector<32xbf16>
        %add3A_180 = arith.addf %broadcast_in_dim3A_21, %bitcast3A_179 : vector<32xbf16>
        %add3A_181 = arith.constant 4000 : i32
        %add3A_182 = vector.broadcast %add3A_181 : i32 to vector<16xi32>
        %add3A_183 = arith.addi %gather3A, %add3A_182 : vector<16xi32>
        %gather3A_184 = tpu.vector_load_idx %arg6[%add3A_183] : memref<5016xi32, #tpu.memory_space<vmem>>[vector<16xi32>], vector<16xi32>,
        %bitcast3A_185 = vector.bitcast %gather3A_184 : vector<16xi32> to vector<32xbf16>
        %add3A_186 = arith.addf %broadcast_in_dim3A_21, %bitcast3A_185 : vector<32xbf16>
        %add3A_187 = arith.constant 1 : i32
        %add3A_188 = arith.addi %mul3A_152, %add3A_187 : i32
        %add3A_189 = vector.broadcast %add3A_188 : i32 to vector<16xi32>
        %add3A_190 = arith.addi %mul3A_49, %add3A_189 : vector<16xi32>
        %gather3A_191 = tpu.vector_load_idx %arg5[%add3A_190] : memref<102400xi32, #tpu.memory_space<vmem>>[vector<16xi32>], vector<16xi32>,
        %add3A_192 = arith.constant 0 : i32
        %add3A_193 = vector.broadcast %add3A_192 : i32 to vector<16xi32>
        %add3A_194 = arith.addi %gather3A_191, %add3A_193 : vector<16xi32>
        %gather3A_195 = tpu.vector_load_idx %arg6[%add3A_194] : memref<5016xi32, #tpu.memory_space<vmem>>[vector<16xi32>], vector<16xi32>,
        %bitcast3A_196 = vector.bitcast %gather3A_195 : vector<16xi32> to vector<32xbf16>
        %add3A_197 = arith.addf %add3A_162, %bitcast3A_196 : vector<32xbf16>
        %add3A_198 = arith.constant 1000 : i32
        %add3A_199 = vector.broadcast %add3A_198 : i32 to vector<16xi32>
        %add3A_200 = arith.addi %gather3A_191, %add3A_199 : vector<16xi32>
        %gather3A_201 = tpu.vector_load_idx %arg6[%add3A_200] : memref<5016xi32, #tpu.memory_space<vmem>>[vector<16xi32>], vector<16xi32>,
        %bitcast3A_202 = vector.bitcast %gather3A_201 : vector<16xi32> to vector<32xbf16>
        %add3A_203 = arith.addf %add3A_168, %bitcast3A_202 : vector<32xbf16>
        %add3A_204 = arith.constant 2000 : i32
        %add3A_205 = vector.broadcast %add3A_204 : i32 to vector<16xi32>
        %add3A_206 = arith.addi %gather3A_191, %add3A_205 : vector<16xi32>
        %gather3A_207 = tpu.vector_load_idx %arg6[%add3A_206] : memref<5016xi32, #tpu.memory_space<vmem>>[vector<16xi32>], vector<16xi32>,
        %bitcast3A_208 = vector.bitcast %gather3A_207 : vector<16xi32> to vector<32xbf16>
        %add3A_209 = arith.addf %add3A_174, %bitcast3A_208 : vector<32xbf16>
        %add3A_210 = arith.constant 3000 : i32
        %add3A_211 = vector.broadcast %add3A_210 : i32 to vector<16xi32>
        %add3A_212 = arith.addi %gather3A_191, %add3A_211 : vector<16xi32>
        %gather3A_213 = tpu.vector_load_idx %arg6[%add3A_212] : memref<5016xi32, #tpu.memory_space<vmem>>[vector<16xi32>], vector<16xi32>,
        %bitcast3A_214 = vector.bitcast %gather3A_213 : vector<16xi32> to vector<32xbf16>
        %add3A_215 = arith.addf %add3A_180, %bitcast3A_214 : vector<32xbf16>
        %add3A_216 = arith.constant 4000 : i32
        %add3A_217 = vector.broadcast %add3A_216 : i32 to vector<16xi32>
        %add3A_218 = arith.addi %gather3A_191, %add3A_217 : vector<16xi32>
        %gather3A_219 = tpu.vector_load_idx %arg6[%add3A_218] : memref<5016xi32, #tpu.memory_space<vmem>>[vector<16xi32>], vector<16xi32>,
        %bitcast3A_220 = vector.bitcast %gather3A_219 : vector<16xi32> to vector<32xbf16>
        %add3A_221 = arith.addf %add3A_186, %bitcast3A_220 : vector<32xbf16>
        %add3A_222 = arith.constant 2 : i32
        %add3A_223 = arith.addi %mul3A_152, %add3A_222 : i32
        %add3A_224 = vector.broadcast %add3A_223 : i32 to vector<16xi32>
        %add3A_225 = arith.addi %mul3A_49, %add3A_224 : vector<16xi32>
        %gather3A_226 = tpu.vector_load_idx %arg5[%add3A_225] : memref<102400xi32, #tpu.memory_space<vmem>>[vector<16xi32>], vector<16xi32>,
        %add3A_227 = arith.constant 0 : i32
        %add3A_228 = vector.broadcast %add3A_227 : i32 to vector<16xi32>
        %add3A_229 = arith.addi %gather3A_226, %add3A_228 : vector<16xi32>
        %gather3A_230 = tpu.vector_load_idx %arg6[%add3A_229] : memref<5016xi32, #tpu.memory_space<vmem>>[vector<16xi32>], vector<16xi32>,
        %bitcast3A_231 = vector.bitcast %gather3A_230 : vector<16xi32> to vector<32xbf16>
        %add3A_232 = arith.addf %add3A_197, %bitcast3A_231 : vector<32xbf16>
        %add3A_233 = arith.constant 1000 : i32
        %add3A_234 = vector.broadcast %add3A_233 : i32 to vector<16xi32>
        %add3A_235 = arith.addi %gather3A_226, %add3A_234 : vector<16xi32>
        %gather3A_236 = tpu.vector_load_idx %arg6[%add3A_235] : memref<5016xi32, #tpu.memory_space<vmem>>[vector<16xi32>], vector<16xi32>,
        %bitcast3A_237 = vector.bitcast %gather3A_236 : vector<16xi32> to vector<32xbf16>
        %add3A_238 = arith.addf %add3A_203, %bitcast3A_237 : vector<32xbf16>
        %add3A_239 = arith.constant 2000 : i32
        %add3A_240 = vector.broadcast %add3A_239 : i32 to vector<16xi32>
        %add3A_241 = arith.addi %gather3A_226, %add3A_240 : vector<16xi32>
        %gather3A_242 = tpu.vector_load_idx %arg6[%add3A_241] : memref<5016xi32, #tpu.memory_space<vmem>>[vector<16xi32>], vector<16xi32>,
        %bitcast3A_243 = vector.bitcast %gather3A_242 : vector<16xi32> to vector<32xbf16>
        %add3A_244 = arith.addf %add3A_209, %bitcast3A_243 : vector<32xbf16>
        %add3A_245 = arith.constant 3000 : i32
        %add3A_246 = vector.broadcast %add3A_245 : i32 to vector<16xi32>
        %add3A_247 = arith.addi %gather3A_226, %add3A_246 : vector<16xi32>
        %gather3A_248 = tpu.vector_load_idx %arg6[%add3A_247] : memref<5016xi32, #tpu.memory_space<vmem>>[vector<16xi32>], vector<16xi32>,
        %bitcast3A_249 = vector.bitcast %gather3A_248 : vector<16xi32> to vector<32xbf16>
        %add3A_250 = arith.addf %add3A_215, %bitcast3A_249 : vector<32xbf16>
        %add3A_251 = arith.constant 4000 : i32
        %add3A_252 = vector.broadcast %add3A_251 : i32 to vector<16xi32>
        %add3A_253 = arith.addi %gather3A_226, %add3A_252 : vector<16xi32>
        %gather3A_254 = tpu.vector_load_idx %arg6[%add3A_253] : memref<5016xi32, #tpu.memory_space<vmem>>[vector<16xi32>], vector<16xi32>,
        %bitcast3A_255 = vector.bitcast %gather3A_254 : vector<16xi32> to vector<32xbf16>
        %add3A_256 = arith.addf %add3A_221, %bitcast3A_255 : vector<32xbf16>
        %add3A_257 = arith.constant 3 : i32
        %add3A_258 = arith.addi %mul3A_152, %add3A_257 : i32
        %add3A_259 = vector.broadcast %add3A_258 : i32 to vector<16xi32>
        %add3A_260 = arith.addi %mul3A_49, %add3A_259 : vector<16xi32>
        %gather3A_261 = tpu.vector_load_idx %arg5[%add3A_260] : memref<102400xi32, #tpu.memory_space<vmem>>[vector<16xi32>], vector<16xi32>,
        %add3A_262 = arith.constant 0 : i32
        %add3A_263 = vector.broadcast %add3A_262 : i32 to vector<16xi32>
        %add3A_264 = arith.addi %gather3A_261, %add3A_263 : vector<16xi32>
        %gather3A_265 = tpu.vector_load_idx %arg6[%add3A_264] : memref<5016xi32, #tpu.memory_space<vmem>>[vector<16xi32>], vector<16xi32>,
        %bitcast3A_266 = vector.bitcast %gather3A_265 : vector<16xi32> to vector<32xbf16>
        %add3A_267 = arith.addf %add3A_232, %bitcast3A_266 : vector<32xbf16>
        %add3A_268 = arith.constant 1000 : i32
        %add3A_269 = vector.broadcast %add3A_268 : i32 to vector<16xi32>
        %add3A_270 = arith.addi %gather3A_261, %add3A_269 : vector<16xi32>
        %gather3A_271 = tpu.vector_load_idx %arg6[%add3A_270] : memref<5016xi32, #tpu.memory_space<vmem>>[vector<16xi32>], vector<16xi32>,
        %bitcast3A_272 = vector.bitcast %gather3A_271 : vector<16xi32> to vector<32xbf16>
        %add3A_273 = arith.addf %add3A_238, %bitcast3A_272 : vector<32xbf16>
        %add3A_274 = arith.constant 2000 : i32
        %add3A_275 = vector.broadcast %add3A_274 : i32 to vector<16xi32>
        %add3A_276 = arith.addi %gather3A_261, %add3A_275 : vector<16xi32>
        %gather3A_277 = tpu.vector_load_idx %arg6[%add3A_276] : memref<5016xi32, #tpu.memory_space<vmem>>[vector<16xi32>], vector<16xi32>,
        %bitcast3A_278 = vector.bitcast %gather3A_277 : vector<16xi32> to vector<32xbf16>
        %add3A_279 = arith.addf %add3A_244, %bitcast3A_278 : vector<32xbf16>
        %add3A_280 = arith.constant 3000 : i32
        %add3A_281 = vector.broadcast %add3A_280 : i32 to vector<16xi32>
        %add3A_282 = arith.addi %gather3A_261, %add3A_281 : vector<16xi32>
        %gather3A_283 = tpu.vector_load_idx %arg6[%add3A_282] : memref<5016xi32, #tpu.memory_space<vmem>>[vector<16xi32>], vector<16xi32>,
        %bitcast3A_284 = vector.bitcast %gather3A_283 : vector<16xi32> to vector<32xbf16>
        %add3A_285 = arith.addf %add3A_250, %bitcast3A_284 : vector<32xbf16>
        %add3A_286 = arith.constant 4000 : i32
        %add3A_287 = vector.broadcast %add3A_286 : i32 to vector<16xi32>
        %add3A_288 = arith.addi %gather3A_261, %add3A_287 : vector<16xi32>
        %gather3A_289 = tpu.vector_load_idx %arg6[%add3A_288] : memref<5016xi32, #tpu.memory_space<vmem>>[vector<16xi32>], vector<16xi32>,
        %bitcast3A_290 = vector.bitcast %gather3A_289 : vector<16xi32> to vector<32xbf16>
        %add3A_291 = arith.addf %add3A_256, %bitcast3A_290 : vector<32xbf16>
        %add3A_292 = arith.constant 4 : i32
        %add3A_293 = arith.addi %mul3A_152, %add3A_292 : i32
        %add3A_294 = vector.broadcast %add3A_293 : i32 to vector<16xi32>
        %add3A_295 = arith.addi %mul3A_49, %add3A_294 : vector<16xi32>
        %gather3A_296 = tpu.vector_load_idx %arg5[%add3A_295] : memref<102400xi32, #tpu.memory_space<vmem>>[vector<16xi32>], vector<16xi32>,
        %add3A_297 = arith.constant 0 : i32
        %add3A_298 = vector.broadcast %add3A_297 : i32 to vector<16xi32>
        %add3A_299 = arith.addi %gather3A_296, %add3A_298 : vector<16xi32>
        %gather3A_300 = tpu.vector_load_idx %arg6[%add3A_299] : memref<5016xi32, #tpu.memory_space<vmem>>[vector<16xi32>], vector<16xi32>,
        %bitcast3A_301 = vector.bitcast %gather3A_300 : vector<16xi32> to vector<32xbf16>
        %add3A_302 = arith.addf %add3A_267, %bitcast3A_301 : vector<32xbf16>
        %add3A_303 = arith.constant 1000 : i32
        %add3A_304 = vector.broadcast %add3A_303 : i32 to vector<16xi32>
        %add3A_305 = arith.addi %gather3A_296, %add3A_304 : vector<16xi32>
        %gather3A_306 = tpu.vector_load_idx %arg6[%add3A_305] : memref<5016xi32, #tpu.memory_space<vmem>>[vector<16xi32>], vector<16xi32>,
        %bitcast3A_307 = vector.bitcast %gather3A_306 : vector<16xi32> to vector<32xbf16>
        %add3A_308 = arith.addf %add3A_273, %bitcast3A_307 : vector<32xbf16>
        %add3A_309 = arith.constant 2000 : i32
        %add3A_310 = vector.broadcast %add3A_309 : i32 to vector<16xi32>
        %add3A_311 = arith.addi %gather3A_296, %add3A_310 : vector<16xi32>
        %gather3A_312 = tpu.vector_load_idx %arg6[%add3A_311] : memref<5016xi32, #tpu.memory_space<vmem>>[vector<16xi32>], vector<16xi32>,
        %bitcast3A_313 = vector.bitcast %gather3A_312 : vector<16xi32> to vector<32xbf16>
        %add3A_314 = arith.addf %add3A_279, %bitcast3A_313 : vector<32xbf16>
        %add3A_315 = arith.constant 3000 : i32
        %add3A_316 = vector.broadcast %add3A_315 : i32 to vector<16xi32>
        %add3A_317 = arith.addi %gather3A_296, %add3A_316 : vector<16xi32>
        %gather3A_318 = tpu.vector_load_idx %arg6[%add3A_317] : memref<5016xi32, #tpu.memory_space<vmem>>[vector<16xi32>], vector<16xi32>,
        %bitcast3A_319 = vector.bitcast %gather3A_318 : vector<16xi32> to vector<32xbf16>
        %add3A_320 = arith.addf %add3A_285, %bitcast3A_319 : vector<32xbf16>
        %add3A_321 = arith.constant 4000 : i32
        %add3A_322 = vector.broadcast %add3A_321 : i32 to vector<16xi32>
        %add3A_323 = arith.addi %gather3A_296, %add3A_322 : vector<16xi32>
        %gather3A_324 = tpu.vector_load_idx %arg6[%add3A_323] : memref<5016xi32, #tpu.memory_space<vmem>>[vector<16xi32>], vector<16xi32>,
        %bitcast3A_325 = vector.bitcast %gather3A_324 : vector<16xi32> to vector<32xbf16>
        %add3A_326 = arith.addf %add3A_291, %bitcast3A_325 : vector<32xbf16>
        %add3A_327 = arith.constant 5 : i32
        %add3A_328 = arith.addi %mul3A_152, %add3A_327 : i32
        %add3A_329 = vector.broadcast %add3A_328 : i32 to vector<16xi32>
        %add3A_330 = arith.addi %mul3A_49, %add3A_329 : vector<16xi32>
        %gather3A_331 = tpu.vector_load_idx %arg5[%add3A_330] : memref<102400xi32, #tpu.memory_space<vmem>>[vector<16xi32>], vector<16xi32>,
        %add3A_332 = arith.constant 0 : i32
        %add3A_333 = vector.broadcast %add3A_332 : i32 to vector<16xi32>
        %add3A_334 = arith.addi %gather3A_331, %add3A_333 : vector<16xi32>
        %gather3A_335 = tpu.vector_load_idx %arg6[%add3A_334] : memref<5016xi32, #tpu.memory_space<vmem>>[vector<16xi32>], vector<16xi32>,
        %bitcast3A_336 = vector.bitcast %gather3A_335 : vector<16xi32> to vector<32xbf16>
        %add3A_337 = arith.addf %add3A_302, %bitcast3A_336 : vector<32xbf16>
        %add3A_338 = arith.constant 1000 : i32
        %add3A_339 = vector.broadcast %add3A_338 : i32 to vector<16xi32>
        %add3A_340 = arith.addi %gather3A_331, %add3A_339 : vector<16xi32>
        %gather3A_341 = tpu.vector_load_idx %arg6[%add3A_340] : memref<5016xi32, #tpu.memory_space<vmem>>[vector<16xi32>], vector<16xi32>,
        %bitcast3A_342 = vector.bitcast %gather3A_341 : vector<16xi32> to vector<32xbf16>
        %add3A_343 = arith.addf %add3A_308, %bitcast3A_342 : vector<32xbf16>
        %add3A_344 = arith.constant 2000 : i32
        %add3A_345 = vector.broadcast %add3A_344 : i32 to vector<16xi32>
        %add3A_346 = arith.addi %gather3A_331, %add3A_345 : vector<16xi32>
        %gather3A_347 = tpu.vector_load_idx %arg6[%add3A_346] : memref<5016xi32, #tpu.memory_space<vmem>>[vector<16xi32>], vector<16xi32>,
        %bitcast3A_348 = vector.bitcast %gather3A_347 : vector<16xi32> to vector<32xbf16>
        %add3A_349 = arith.addf %add3A_314, %bitcast3A_348 : vector<32xbf16>
        %add3A_350 = arith.constant 3000 : i32
        %add3A_351 = vector.broadcast %add3A_350 : i32 to vector<16xi32>
        %add3A_352 = arith.addi %gather3A_331, %add3A_351 : vector<16xi32>
        %gather3A_353 = tpu.vector_load_idx %arg6[%add3A_352] : memref<5016xi32, #tpu.memory_space<vmem>>[vector<16xi32>], vector<16xi32>,
        %bitcast3A_354 = vector.bitcast %gather3A_353 : vector<16xi32> to vector<32xbf16>
        %add3A_355 = arith.addf %add3A_320, %bitcast3A_354 : vector<32xbf16>
        %add3A_356 = arith.constant 4000 : i32
        %add3A_357 = vector.broadcast %add3A_356 : i32 to vector<16xi32>
        %add3A_358 = arith.addi %gather3A_331, %add3A_357 : vector<16xi32>
        %gather3A_359 = tpu.vector_load_idx %arg6[%add3A_358] : memref<5016xi32, #tpu.memory_space<vmem>>[vector<16xi32>], vector<16xi32>,
        %bitcast3A_360 = vector.bitcast %gather3A_359 : vector<16xi32> to vector<32xbf16>
        %add3A_361 = arith.addf %add3A_326, %bitcast3A_360 : vector<32xbf16>
        %add3A_362 = arith.constant 6 : i32
        %add3A_363 = arith.addi %mul3A_152, %add3A_362 : i32
        %add3A_364 = vector.broadcast %add3A_363 : i32 to vector<16xi32>
        %add3A_365 = arith.addi %mul3A_49, %add3A_364 : vector<16xi32>
        %gather3A_366 = tpu.vector_load_idx %arg5[%add3A_365] : memref<102400xi32, #tpu.memory_space<vmem>>[vector<16xi32>], vector<16xi32>,
        %add3A_367 = arith.constant 0 : i32
        %add3A_368 = vector.broadcast %add3A_367 : i32 to vector<16xi32>
        %add3A_369 = arith.addi %gather3A_366, %add3A_368 : vector<16xi32>
        %gather3A_370 = tpu.vector_load_idx %arg6[%add3A_369] : memref<5016xi32, #tpu.memory_space<vmem>>[vector<16xi32>], vector<16xi32>,
        %bitcast3A_371 = vector.bitcast %gather3A_370 : vector<16xi32> to vector<32xbf16>
        %add3A_372 = arith.addf %add3A_337, %bitcast3A_371 : vector<32xbf16>
        %add3A_373 = arith.constant 1000 : i32
        %add3A_374 = vector.broadcast %add3A_373 : i32 to vector<16xi32>
        %add3A_375 = arith.addi %gather3A_366, %add3A_374 : vector<16xi32>
        %gather3A_376 = tpu.vector_load_idx %arg6[%add3A_375] : memref<5016xi32, #tpu.memory_space<vmem>>[vector<16xi32>], vector<16xi32>,
        %bitcast3A_377 = vector.bitcast %gather3A_376 : vector<16xi32> to vector<32xbf16>
        %add3A_378 = arith.addf %add3A_343, %bitcast3A_377 : vector<32xbf16>
        %add3A_379 = arith.constant 2000 : i32
        %add3A_380 = vector.broadcast %add3A_379 : i32 to vector<16xi32>
        %add3A_381 = arith.addi %gather3A_366, %add3A_380 : vector<16xi32>
        %gather3A_382 = tpu.vector_load_idx %arg6[%add3A_381] : memref<5016xi32, #tpu.memory_space<vmem>>[vector<16xi32>], vector<16xi32>,
        %bitcast3A_383 = vector.bitcast %gather3A_382 : vector<16xi32> to vector<32xbf16>
        %add3A_384 = arith.addf %add3A_349, %bitcast3A_383 : vector<32xbf16>
        %add3A_385 = arith.constant 3000 : i32
        %add3A_386 = vector.broadcast %add3A_385 : i32 to vector<16xi32>
        %add3A_387 = arith.addi %gather3A_366, %add3A_386 : vector<16xi32>
        %gather3A_388 = tpu.vector_load_idx %arg6[%add3A_387] : memref<5016xi32, #tpu.memory_space<vmem>>[vector<16xi32>], vector<16xi32>,
        %bitcast3A_389 = vector.bitcast %gather3A_388 : vector<16xi32> to vector<32xbf16>
        %add3A_390 = arith.addf %add3A_355, %bitcast3A_389 : vector<32xbf16>
        %add3A_391 = arith.constant 4000 : i32
        %add3A_392 = vector.broadcast %add3A_391 : i32 to vector<16xi32>
        %add3A_393 = arith.addi %gather3A_366, %add3A_392 : vector<16xi32>
        %gather3A_394 = tpu.vector_load_idx %arg6[%add3A_393] : memref<5016xi32, #tpu.memory_space<vmem>>[vector<16xi32>], vector<16xi32>,
        %bitcast3A_395 = vector.bitcast %gather3A_394 : vector<16xi32> to vector<32xbf16>
        %add3A_396 = arith.addf %add3A_361, %bitcast3A_395 : vector<32xbf16>
        %add3A_397 = arith.constant 7 : i32
        %add3A_398 = arith.addi %mul3A_152, %add3A_397 : i32
        %add3A_399 = vector.broadcast %add3A_398 : i32 to vector<16xi32>
        %add3A_400 = arith.addi %mul3A_49, %add3A_399 : vector<16xi32>
        %gather3A_401 = tpu.vector_load_idx %arg5[%add3A_400] : memref<102400xi32, #tpu.memory_space<vmem>>[vector<16xi32>], vector<16xi32>,
        %add3A_402 = arith.constant 0 : i32
        %add3A_403 = vector.broadcast %add3A_402 : i32 to vector<16xi32>
        %add3A_404 = arith.addi %gather3A_401, %add3A_403 : vector<16xi32>
        %gather3A_405 = tpu.vector_load_idx %arg6[%add3A_404] : memref<5016xi32, #tpu.memory_space<vmem>>[vector<16xi32>], vector<16xi32>,
        %bitcast3A_406 = vector.bitcast %gather3A_405 : vector<16xi32> to vector<32xbf16>
        %add3A_407 = arith.addf %add3A_372, %bitcast3A_406 : vector<32xbf16>
        %add3A_408 = arith.constant 1000 : i32
        %add3A_409 = vector.broadcast %add3A_408 : i32 to vector<16xi32>
        %add3A_410 = arith.addi %gather3A_401, %add3A_409 : vector<16xi32>
        %gather3A_411 = tpu.vector_load_idx %arg6[%add3A_410] : memref<5016xi32, #tpu.memory_space<vmem>>[vector<16xi32>], vector<16xi32>,
        %bitcast3A_412 = vector.bitcast %gather3A_411 : vector<16xi32> to vector<32xbf16>
        %add3A_413 = arith.addf %add3A_378, %bitcast3A_412 : vector<32xbf16>
        %add3A_414 = arith.constant 2000 : i32
        %add3A_415 = vector.broadcast %add3A_414 : i32 to vector<16xi32>
        %add3A_416 = arith.addi %gather3A_401, %add3A_415 : vector<16xi32>
        %gather3A_417 = tpu.vector_load_idx %arg6[%add3A_416] : memref<5016xi32, #tpu.memory_space<vmem>>[vector<16xi32>], vector<16xi32>,
        %bitcast3A_418 = vector.bitcast %gather3A_417 : vector<16xi32> to vector<32xbf16>
        %add3A_419 = arith.addf %add3A_384, %bitcast3A_418 : vector<32xbf16>
        %add3A_420 = arith.constant 3000 : i32
        %add3A_421 = vector.broadcast %add3A_420 : i32 to vector<16xi32>
        %add3A_422 = arith.addi %gather3A_401, %add3A_421 : vector<16xi32>
        %gather3A_423 = tpu.vector_load_idx %arg6[%add3A_422] : memref<5016xi32, #tpu.memory_space<vmem>>[vector<16xi32>], vector<16xi32>,
        %bitcast3A_424 = vector.bitcast %gather3A_423 : vector<16xi32> to vector<32xbf16>
        %add3A_425 = arith.addf %add3A_390, %bitcast3A_424 : vector<32xbf16>
        %add3A_426 = arith.constant 4000 : i32
        %add3A_427 = vector.broadcast %add3A_426 : i32 to vector<16xi32>
        %add3A_428 = arith.addi %gather3A_401, %add3A_427 : vector<16xi32>
        %gather3A_429 = tpu.vector_load_idx %arg6[%add3A_428] : memref<5016xi32, #tpu.memory_space<vmem>>[vector<16xi32>], vector<16xi32>,
        %bitcast3A_430 = vector.bitcast %gather3A_429 : vector<16xi32> to vector<32xbf16>
        %add3A_431 = arith.addf %add3A_396, %bitcast3A_430 : vector<32xbf16>
        %bitcast3A_432 = vector.bitcast %add3A_407 : vector<32xbf16> to vector<16xi32>
        %shift_left3A = arith.constant 16 : i32
        %shift_left3A_433 = vector.broadcast %shift_left3A : i32 to vector<16xi32>
        %shift_left3A_434 = arith.shli %bitcast3A_432, %shift_left3A_433 : vector<16xi32>
        %bitcast3A_435 = vector.bitcast %shift_left3A_434 : vector<16xi32> to vector<16xf32>
        %add3A_436 = arith.addf %scan3A_142, %bitcast3A_435 : vector<16xf32>
        %and3A = arith.constant -65536 : i32
        %and3A_437 = vector.broadcast %and3A : i32 to vector<16xi32>
        %and3A_438 = arith.andi %bitcast3A_432, %and3A_437 : vector<16xi32>
        %bitcast3A_439 = vector.bitcast %and3A_438 : vector<16xi32> to vector<16xf32>
        %add3A_440 = arith.addf %scan3A_143, %bitcast3A_439 : vector<16xf32>
        %bitcast3A_441 = vector.bitcast %add3A_413 : vector<32xbf16> to vector<16xi32>
        %shift_left3A_442 = arith.constant 16 : i32
        %shift_left3A_443 = vector.broadcast %shift_left3A_442 : i32 to vector<16xi32>
        %shift_left3A_444 = arith.shli %bitcast3A_441, %shift_left3A_443 : vector<16xi32>
        %bitcast3A_445 = vector.bitcast %shift_left3A_444 : vector<16xi32> to vector<16xf32>
        %add3A_446 = arith.addf %scan3A_144, %bitcast3A_445 : vector<16xf32>
        %and3A_447 = arith.constant -65536 : i32
        %and3A_448 = vector.broadcast %and3A_447 : i32 to vector<16xi32>
        %and3A_449 = arith.andi %bitcast3A_441, %and3A_448 : vector<16xi32>
        %bitcast3A_450 = vector.bitcast %and3A_449 : vector<16xi32> to vector<16xf32>
        %add3A_451 = arith.addf %scan3A_145, %bitcast3A_450 : vector<16xf32>
        %bitcast3A_452 = vector.bitcast %add3A_419 : vector<32xbf16> to vector<16xi32>
        %shift_left3A_453 = arith.constant 16 : i32
        %shift_left3A_454 = vector.broadcast %shift_left3A_453 : i32 to vector<16xi32>
        %shift_left3A_455 = arith.shli %bitcast3A_452, %shift_left3A_454 : vector<16xi32>
        %bitcast3A_456 = vector.bitcast %shift_left3A_455 : vector<16xi32> to vector<16xf32>
        %add3A_457 = arith.addf %scan3A_146, %bitcast3A_456 : vector<16xf32>
        %and3A_458 = arith.constant -65536 : i32
        %and3A_459 = vector.broadcast %and3A_458 : i32 to vector<16xi32>
        %and3A_460 = arith.andi %bitcast3A_452, %and3A_459 : vector<16xi32>
        %bitcast3A_461 = vector.bitcast %and3A_460 : vector<16xi32> to vector<16xf32>
        %add3A_462 = arith.addf %scan3A_147, %bitcast3A_461 : vector<16xf32>
        %bitcast3A_463 = vector.bitcast %add3A_425 : vector<32xbf16> to vector<16xi32>
        %shift_left3A_464 = arith.constant 16 : i32
        %shift_left3A_465 = vector.broadcast %shift_left3A_464 : i32 to vector<16xi32>
        %shift_left3A_466 = arith.shli %bitcast3A_463, %shift_left3A_465 : vector<16xi32>
        %bitcast3A_467 = vector.bitcast %shift_left3A_466 : vector<16xi32> to vector<16xf32>
        %add3A_468 = arith.addf %scan3A_148, %bitcast3A_467 : vector<16xf32>
        %and3A_469 = arith.constant -65536 : i32
        %and3A_470 = vector.broadcast %and3A_469 : i32 to vector<16xi32>
        %and3A_471 = arith.andi %bitcast3A_463, %and3A_470 : vector<16xi32>
        %bitcast3A_472 = vector.bitcast %and3A_471 : vector<16xi32> to vector<16xf32>
        %add3A_473 = arith.addf %scan3A_149, %bitcast3A_472 : vector<16xf32>
        %bitcast3A_474 = vector.bitcast %add3A_431 : vector<32xbf16> to vector<16xi32>
        %shift_left3A_475 = arith.constant 16 : i32
        %shift_left3A_476 = vector.broadcast %shift_left3A_475 : i32 to vector<16xi32>
        %shift_left3A_477 = arith.shli %bitcast3A_474, %shift_left3A_476 : vector<16xi32>
        %bitcast3A_478 = vector.bitcast %shift_left3A_477 : vector<16xi32> to vector<16xf32>
        %add3A_479 = arith.addf %scan3A_150, %bitcast3A_478 : vector<16xf32>
        scf.yield %add3A_436, %add3A_440, %add3A_446, %add3A_451, %add3A_457, %add3A_462, %add3A_468, %add3A_473, %add3A_479 : vector<16xf32>, vector<16xf32>, vector<16xf32>, vector<16xf32>, vector<16xf32>, vector<16xf32>, vector<16xf32>, vector<16xf32>, vector<16xf32>
      }
      %scan3A_80 = arith.constant 25 : i32
      %max3A = arith.maximumf %scan3A_79#0, %scan3A_79#1 : vector<16xf32>
      %max3A_81 = arith.maximumf %max3A, %scan3A_79#2 : vector<16xf32>
      %max3A_82 = arith.maximumf %max3A_81, %scan3A_79#3 : vector<16xf32>
      %max3A_83 = arith.maximumf %max3A_82, %scan3A_79#4 : vector<16xf32>
      %max3A_84 = arith.maximumf %max3A_83, %scan3A_79#5 : vector<16xf32>
      %max3A_85 = arith.maximumf %max3A_84, %scan3A_79#6 : vector<16xf32>
      %max3A_86 = arith.maximumf %max3A_85, %scan3A_79#7 : vector<16xf32>
      %max3A_87 = arith.maximumf %max3A_86, %scan3A_79#8 : vector<16xf32>
      %sub3A = arith.subf %scan3A_79#0, %max3A_87 : vector<16xf32>
      %exp3A = math.exp %sub3A : vector<16xf32>
      %sub3A_88 = arith.subf %scan3A_79#1, %max3A_87 : vector<16xf32>
      %exp3A_89 = math.exp %sub3A_88 : vector<16xf32>
      %sub3A_90 = arith.subf %scan3A_79#2, %max3A_87 : vector<16xf32>
      %exp3A_91 = math.exp %sub3A_90 : vector<16xf32>
      %sub3A_92 = arith.subf %scan3A_79#3, %max3A_87 : vector<16xf32>
      %exp3A_93 = math.exp %sub3A_92 : vector<16xf32>
      %sub3A_94 = arith.subf %scan3A_79#4, %max3A_87 : vector<16xf32>
      %exp3A_95 = math.exp %sub3A_94 : vector<16xf32>
      %sub3A_96 = arith.subf %scan3A_79#5, %max3A_87 : vector<16xf32>
      %exp3A_97 = math.exp %sub3A_96 : vector<16xf32>
      %sub3A_98 = arith.subf %scan3A_79#6, %max3A_87 : vector<16xf32>
      %exp3A_99 = math.exp %sub3A_98 : vector<16xf32>
      %sub3A_100 = arith.subf %scan3A_79#7, %max3A_87 : vector<16xf32>
      %exp3A_101 = math.exp %sub3A_100 : vector<16xf32>
      %sub3A_102 = arith.subf %scan3A_79#8, %max3A_87 : vector<16xf32>
      %exp3A_103 = math.exp %sub3A_102 : vector<16xf32>
      %add3A_104 = arith.addf %exp3A, %exp3A_89 : vector<16xf32>
      %add3A_105 = arith.addf %add3A_104, %exp3A_91 : vector<16xf32>
      %add3A_106 = arith.addf %add3A_105, %exp3A_93 : vector<16xf32>
      %add3A_107 = arith.addf %add3A_106, %exp3A_95 : vector<16xf32>
      %add3A_108 = arith.addf %add3A_107, %exp3A_97 : vector<16xf32>
      %add3A_109 = arith.addf %add3A_108, %exp3A_99 : vector<16xf32>
      %add3A_110 = arith.addf %add3A_109, %exp3A_101 : vector<16xf32>
      %add3A_111 = arith.addf %add3A_110, %exp3A_103 : vector<16xf32>
      %div3A = arith.constant 1.000000e+00 : f32
      %div3A_112 = vector.broadcast %div3A : f32 to vector<16xf32>
      %div3A_113 = arith.divf %div3A_112, %add3A_111 : vector<16xf32>
      %broadcast_in_dim3A_114 = arith.constant 0 : i32
      %broadcast_in_dim3A_115 = vector.broadcast %broadcast_in_dim3A_114 : i32 to vector<16xi32>
      %mul3A_116 = arith.mulf %exp3A, %div3A_113 : vector<16xf32>
      tpu.vector_store_idx %arg7[%add3A_46, %broadcast_in_dim3A_115], %mul3A_116 : memref<512x9xf32, #tpu.memory_space<vmem>>[vector<16xi32>, vector<16xi32>], vector<16xf32>,
      %broadcast_in_dim3A_117 = arith.constant 1 : i32
      %broadcast_in_dim3A_118 = vector.broadcast %broadcast_in_dim3A_117 : i32 to vector<16xi32>
      %mul3A_119 = arith.mulf %exp3A_89, %div3A_113 : vector<16xf32>
      tpu.vector_store_idx %arg7[%add3A_46, %broadcast_in_dim3A_118], %mul3A_119 : memref<512x9xf32, #tpu.memory_space<vmem>>[vector<16xi32>, vector<16xi32>], vector<16xf32>,
      %broadcast_in_dim3A_120 = arith.constant 2 : i32
      %broadcast_in_dim3A_121 = vector.broadcast %broadcast_in_dim3A_120 : i32 to vector<16xi32>
      %mul3A_122 = arith.mulf %exp3A_91, %div3A_113 : vector<16xf32>
      tpu.vector_store_idx %arg7[%add3A_46, %broadcast_in_dim3A_121], %mul3A_122 : memref<512x9xf32, #tpu.memory_space<vmem>>[vector<16xi32>, vector<16xi32>], vector<16xf32>,
      %broadcast_in_dim3A_123 = arith.constant 3 : i32
      %broadcast_in_dim3A_124 = vector.broadcast %broadcast_in_dim3A_123 : i32 to vector<16xi32>
      %mul3A_125 = arith.mulf %exp3A_93, %div3A_113 : vector<16xf32>
      tpu.vector_store_idx %arg7[%add3A_46, %broadcast_in_dim3A_124], %mul3A_125 : memref<512x9xf32, #tpu.memory_space<vmem>>[vector<16xi32>, vector<16xi32>], vector<16xf32>,
      %broadcast_in_dim3A_126 = arith.constant 4 : i32
      %broadcast_in_dim3A_127 = vector.broadcast %broadcast_in_dim3A_126 : i32 to vector<16xi32>
      %mul3A_128 = arith.mulf %exp3A_95, %div3A_113 : vector<16xf32>
      tpu.vector_store_idx %arg7[%add3A_46, %broadcast_in_dim3A_127], %mul3A_128 : memref<512x9xf32, #tpu.memory_space<vmem>>[vector<16xi32>, vector<16xi32>], vector<16xf32>,
      %broadcast_in_dim3A_129 = arith.constant 5 : i32
      %broadcast_in_dim3A_130 = vector.broadcast %broadcast_in_dim3A_129 : i32 to vector<16xi32>
      %mul3A_131 = arith.mulf %exp3A_97, %div3A_113 : vector<16xf32>
      tpu.vector_store_idx %arg7[%add3A_46, %broadcast_in_dim3A_130], %mul3A_131 : memref<512x9xf32, #tpu.memory_space<vmem>>[vector<16xi32>, vector<16xi32>], vector<16xf32>,
      %broadcast_in_dim3A_132 = arith.constant 6 : i32
      %broadcast_in_dim3A_133 = vector.broadcast %broadcast_in_dim3A_132 : i32 to vector<16xi32>
      %mul3A_134 = arith.mulf %exp3A_99, %div3A_113 : vector<16xf32>
      tpu.vector_store_idx %arg7[%add3A_46, %broadcast_in_dim3A_133], %mul3A_134 : memref<512x9xf32, #tpu.memory_space<vmem>>[vector<16xi32>, vector<16xi32>], vector<16xf32>,
      %broadcast_in_dim3A_135 = arith.constant 7 : i32
      %broadcast_in_dim3A_136 = vector.broadcast %broadcast_in_dim3A_135 : i32 to vector<16xi32>
      %mul3A_137 = arith.mulf %exp3A_101, %div3A_113 : vector<16xf32>
      tpu.vector_store_idx %arg7[%add3A_46, %broadcast_in_dim3A_136], %mul3A_137 : memref<512x9xf32, #tpu.memory_space<vmem>>[vector<16xi32>, vector<16xi32>], vector<16xf32>,
      %broadcast_in_dim3A_138 = arith.constant 8 : i32
      %broadcast_in_dim3A_139 = vector.broadcast %broadcast_in_dim3A_138 : i32 to vector<16xi32>
      %mul3A_140 = arith.mulf %exp3A_103, %div3A_113 : vector<16xf32>
      tpu.vector_store_idx %arg7[%add3A_46, %broadcast_in_dim3A_139], %mul3A_140 : memref<512x9xf32, #tpu.memory_space<vmem>>[vector<16xi32>, vector<16xi32>], vector<16xf32>,
    }
    %scan3A_41 = arith.constant 16 : i32
    "tpu.region"() ({
      %run_scoped3A = tpu.sem_alloc : memref<!tpu.dma_semaphore, #tpu.memory_space<semaphore_mem>>
      %dma_start3A_42 = arith.constant 0 : i32
      %dma_start3A_43 = tpu.memref_slice %arg4[%mul3A_2, %dma_start3A_42] : memref<16384x9xf32, #tpu.memory_space<hbm>> -> memref<512x9xf32, #tpu.memory_space<hbm>>
      %dma_start3A_44 = arith.constant 0 : i32
      %dma_start3A_45 = tpu.memref_slice %arg4[%mul3A_2, %dma_start3A_44] : memref<16384x9xf32, #tpu.memory_space<hbm>> -> memref<512x9xf32, #tpu.memory_space<hbm>>
      tpu.enqueue_dma source(%arg7 : memref<512x9xf32, #tpu.memory_space<vmem>>) target(%dma_start3A_45 : memref<512x9xf32, #tpu.memory_space<hbm>>) target_semaphore(%run_scoped3A : memref<!tpu.dma_semaphore, #tpu.memory_space<semaphore_mem>>)
      %dma_wait3A_46 = arith.constant 0 : i32
      %dma_wait3A_47 = tpu.memref_slice %arg4[%mul3A_2, %dma_wait3A_46] : memref<16384x9xf32, #tpu.memory_space<hbm>> -> memref<512x9xf32, #tpu.memory_space<hbm>>
      %dma_wait3A_48 = arith.constant 0 : i32
      %dma_wait3A_49 = tpu.memref_slice %arg4[%mul3A_2, %dma_wait3A_48] : memref<16384x9xf32, #tpu.memory_space<hbm>> -> memref<512x9xf32, #tpu.memory_space<hbm>>
      tpu.wait_dma2 semaphore(%run_scoped3A : memref<!tpu.dma_semaphore, #tpu.memory_space<semaphore_mem>>) src(%arg7 : memref<512x9xf32, #tpu.memory_space<vmem>>) dst(%dma_wait3A_49 : memref<512x9xf32, #tpu.memory_space<hbm>>)
      tpu.yield
    }) : () -> ()
    return
  }
}

</mosaic_0001>

<sc_bundles>
// kernel: kernel.3.cloned.1.call-start
scs
__scs_entry_jumppad:
0x0: {  	(pc) =	sbr.rel $0x88, $3  }
0x1: {  	(tag) =	ssettag $0x0;
	lr =	simm.s32 $0x1  }
0x2: {  	[smem:$0x3F9E] =	sst lr;
	_ =	strace $0xD0000000  }
0x3: {  	_ = 	snop  }
0x4: {  	_ = 	snop  }
0x5: {  	_ = 	snop  }
0x6: {  	_ = 	snop  }
0x7: {  	_ = 	snop  }
__scs_overlays_trampoline_lowered:
0x8: {  	[smem:$0x3FAD] =	sst s0  }
0x9: {  	[smem:$0x3FAE] =	sst s1  }
0xa: {  	[smem:$0x3FAF] =	sst s2  }
0xb: {  	[smem:$0x3FB0] =	sst s3  }
0xc: {  	[smem:$0x3FB1] =	sst s4  }
0xd: {  	[smem:$0x3FB2] =	sst s5  }
0xe: {  	[smem:$0x3FB3] =	sst s6  }
0xf: {  	[smem:$0x3FB4] =	sst s7  }
0x10: {  	[smem:$0x3FB5] =	sst s8  }
0x11: {  	[smem:$0x3FB6] =	sst s9;
	s0 =	simm.s32 @!p0 $0x0  }
0x12: {  	s1 =	sld [smem:$0x3F9C];
	s0 =	simm.s32 @p0 $0x1  }
0x13: {  	[smem:$0x3FB7] =	sst s0;
	s0 =	simm.s32 @!p1 $0x0  }
0x14: {  	s2 =	sld [smem:$0x3F9B];
	s0 =	simm.s32 @p1 $0x1  }
0x15: {  	[smem:$0x3FB8] =	sst s0;
	s0 =	simm.s32 @!p2 $0x0  }
0x16: {  	s3 =	sld [smem:$0x3FDB];
	s0 =	simm.s32 @p2 $0x1  }
0x17: {  	s4 =	simm.s32 $0x1BF5;
	[smem:$0x3FBA] =	sst s0  }
0x18: {  	s0 =	sld [smem:$0x3F9D];
	_ =	swait.ge [sflag:s4], $0x0  }
0x19: {  	s7 =	sld [smem:$0x3F9E]  }
0x1a: {  	s8 =	sadd.s32 $0xFFFFE003, lr  }
0x1b: {  	s9 =	sadd.s32 $0xFFFFFEF7, lr;
	s5 =	simm.s32 $0xFFFFFFFF;
	p2 =	slt.u32 s8, $0xFFFFF086  }
0x1c: {  	p1 =	slt.u32 s9, $0xF7A;
	s5 =	simm.s32 @!p2 $0x0  }
0x1d: {  	s5 =	simm.s32 @p1 $0x1;
	p0 =	seq.s32 s7, s2  }
0x1e: {  	s7 =	smul.u32 @!p0 $0xF7A, s2;
	p2 =	seq.s32 @!p0 s5, $0x0  }
0x1f: {  	s9 =	smul.u32 $0xF7A, s1;
	s8 =	simm.s32 @!p0 $0x1BF5;
	p2 =	por !p2, p0  }
0x20: {  	[sflag:s8] =	ssyncset.s32 @!p0 $0xFFFFF086;
	s6 =	sadd.s32 @!p0 s3, s7;
	s7 =	simm.s32 @!p0 $0x108  }
0x21: {  	s3 =	sadd.s32 s3, s9;
	s6 =	sadd.s32 @!p0 $0x88, s6;
	s7 =	simm.s32 @p2 $0x1082  }
0x22: {  	[simem:s7], [sflag:s8] =	dma.local @!p0 [hbm:s6], $0xF7A  }
0x23: {  	s9 =	sor.u32 $0xD0000000, s2;
	s6 =	simm.s32 $0x108;
	_ =	swait.ge @!p0 [sflag:s8], $0x0  }
0x24: {  	s3 =	sadd.s32 $0x88, s3;
	s6 =	simm.s32 @!p1 $0x1082;
	[sflag:s4] =	ssyncset.s32 $0xFFFFF086  }
0x25: {  	[simem:s6], [sflag:s4] =	dma.local [hbm:s3], $0xF7A  }
0x26: {  	[smem:$0x3F9E] =	sst s1;
	(tag) =	ssettag s2;
	_ =	strace s9  }
0x27: {  	s1 =	sld [smem:$0x3FAE]  }
0x28: {  	s2 =	sld [smem:$0x3FAF]  }
0x29: {  	s4 =	sld [smem:$0x3FB1]  }
0x2a: {  	p0 =	seq.s32 s5, $0x0;
	s5 =	sld [smem:$0x3FB2]  }
0x2b: {  	s6 =	sld [smem:$0x3FB3]  }
0x2c: {  	s7 =	sld [smem:$0x3FB4]  }
0x2d: {  	s3 =	simm.s32 $0x108;
	s8 =	sld [smem:$0x3FB5]  }
0x2e: {  	s3 =	simm.s32 @!p0 $0x1082;
	s9 =	sld [smem:$0x3FB6]  }
0x2f: {  	lr =	sadd.s32 s0, s3;
	s0 =	sld [smem:$0x3FAD]  }
0x30: {  	s3 =	sld [smem:$0x3FB0]  }
0x31: {  	[smem:$0x3FB9] =	sst s10  }
0x32: {  	s10 =	sld [smem:$0x3FB7];
	_ =	sdelay $0x3  }
0x33: {  	p0 =	seq.s32 s10, $0x1;
	s10 =	sld [smem:$0x3FB9];
	_ =	sdelay $0x3  }
0x34: {  	[smem:$0x3FB9] =	sst s10  }
0x35: {  	s10 =	sld [smem:$0x3FB8];
	_ =	sdelay $0x3  }
0x36: {  	p1 =	seq.s32 s10, $0x1;
	s10 =	sld [smem:$0x3FB9];
	_ =	sdelay $0x3  }
0x37: {  	[smem:$0x3FB9] =	sst s10  }
0x38: {  	s10 =	sld [smem:$0x3FBA]  }
0x39: {  	_ = 	snop;
	(pc) =	sbr.ind lr, $3  }
0x3a: {  	_ = 	snop  }
0x3b: {  	_ = 	snop  }
0x3c: {  	p2 =	seq.s32 s10, $0x1;
	s10 =	sld [smem:$0x3FB9]  }
0x3d: {  	_ =	shalt  }
0x3e: {  	_ =	shalt  }
0x3f: {  	_ =	shalt  }
0x40: {  	_ =	shalt  }
0x41: {  	_ =	shalt  }
0x42: {  	_ =	shalt  }
0x43: {  	_ =	shalt  }
0x44: {  	_ =	shalt  }
0x45: {  	_ =	shalt  }
0x46: {  	_ =	shalt  }
0x47: {  	_ =	shalt  }
0x48: {  	_ =	shalt  }
0x49: {  	_ =	shalt  }
0x4a: {  	_ =	shalt  }
0x4b: {  	_ =	shalt  }
0x4c: {  	_ =	shalt  }
0x4d: {  	_ =	shalt  }
0x4e: {  	_ =	shalt  }
0x4f: {  	_ =	shalt  }
0x50: {  	_ =	shalt  }
0x51: {  	_ =	shalt  }
0x52: {  	_ =	shalt  }
0x53: {  	_ =	shalt  }
0x54: {  	_ =	shalt  }
0x55: {  	_ =	shalt  }
0x56: {  	_ =	shalt  }
0x57: {  	_ =	shalt  }
0x58: {  	_ =	shalt  }
0x59: {  	_ =	shalt  }
0x5a: {  	_ =	shalt  }
0x5b: {  	_ =	shalt  }
0x5c: {  	_ =	shalt  }
0x5d: {  	_ =	shalt  }
0x5e: {  	_ =	shalt  }
0x5f: {  	_ =	shalt  }
0x60: {  	_ =	shalt  }
0x61: {  	_ =	shalt  }
0x62: {  	_ =	shalt  }
0x63: {  	_ =	shalt  }
0x64: {  	_ =	shalt  }
0x65: {  	_ =	shalt  }
0x66: {  	_ =	shalt  }
0x67: {  	_ =	shalt  }
0x68: {  	_ =	shalt  }
0x69: {  	_ =	shalt  }
0x6a: {  	_ =	shalt  }
0x6b: {  	_ =	shalt  }
0x6c: {  	_ =	shalt  }
0x6d: {  	_ =	shalt  }
0x6e: {  	_ =	shalt  }
0x6f: {  	_ =	shalt  }
0x70: {  	_ =	shalt  }
0x71: {  	_ =	shalt  }
0x72: {  	_ =	shalt  }
0x73: {  	_ =	shalt  }
0x74: {  	_ =	shalt  }
0x75: {  	_ =	shalt  }
0x76: {  	_ =	shalt  }
0x77: {  	_ =	shalt  }
0x78: {  	_ =	shalt  }
0x79: {  	_ =	shalt  }
0x7a: {  	_ =	shalt  }
0x7b: {  	_ =	shalt  }
0x7c: {  	_ =	shalt  }
0x7d: {  	_ =	shalt  }
0x7e: {  	_ =	shalt  }
0x7f: {  	_ =	shalt  }
0x80: {  	_ =	shalt  }
0x81: {  	_ =	shalt  }
0x82: {  	_ =	shalt  }
0x83: {  	_ =	shalt  }
0x84: {  	_ =	shalt  }
0x85: {  	_ =	shalt  }
0x86: {  	_ =	shalt  }
0x87: {  	_ =	shalt  }
.Lfunc_end0:
.L_simem_size_0:
called_computation_lowered:
.L_overlay_start_0:
0x88: {  	s2 =	sld [smem:$0x3FD9]  }
0x89: {  	s3 =	sld [smem:$0x3FFE];
	_ =	sdelay $0x1  }
0x8a: {  	s1 =	srdreg.scid  }
0x8b: {  	s0 =	sand.u32 $0x1, s1  }
0x8c: {  	s17 =	sshll.u32 s0, $0xA;
	s2 =	sadd.s32 s3, s2  }
0x8d: {  	s2 =	sadd.s32 s2, s17  }
0x8e: {  	[smem:$0x3FC5] =	sst s2  }
0x8f: {  	_ = 	snop  }
0x90: {  	s2 =	sld [smem:$0x3FD0];
	(tm) =	ssettm $0x1  }
0x91: {  	s18 =	sld [smem:$0x3FFB];
	_ =	sdelay $0x3  }
0x92: {  	_ =	strace s18  }
0x93: {  	s3 =	sld [smem:$0x3FFC];
	_ =	sdelay $0x3  }
0x94: {  	_ =	strace s3  }
0x95: {  	s3 =	sld [smem:$0x3FFD];
	_ =	sdelay $0x3  }
0x96: {  	_ =	strace s3  }
0x97: {  	_ =	strace $0x8FFFFFFF  }
0x98: {  	s19 =	sld [smem:$0x3FDB];
	_ =	sdelay $0x1  }
0x99: {  	s4 =	simm.s32 $_scs_section_size  }
0x9a: {  	s5 =	simm.s32 $_size__tile_overlayer_lowered;
	s6 =	simm.s32 $_tile_overlayer_lowered  }
0x9b: {  	s22 =	simm.s32 $0x1BFF;
	s21 =	sshll.u32 s6, $0x1;
	s3 =	sadd.s32 s4, s19  }
0x9c: {  	s7 =	simm.s32 $0x0;
	s20 =	sshll.u32 s5, $0x1;
	s5 =	sadd.s32 s21, s3  }
0x9d: {  	[timem:s7], [sflag:s22] =	dma.local [hbm:s5], s20  }
0x9e: {  	_ =	swait.ge [sflag:s22], s20  }
0x9f: {  	s4 =	ssub.s32 $0x0, s20;
	[sflag:s22] =	ssyncset.done $0x0  }
0xa0: {  	[sflag:s22] =	ssyncadd.s32 s4;
	_ =	sdelay $0x1  }
0xa1: {  	s23 =	simm.s32 $0x1B8B  }
0xa2: {  	_ =	swait.ge [sflag:s23], $0x1  }
0xa3: {  	[sflag:s23] =	ssyncset.done $0x0  }
0xa4: {  	s25 =	simm.s32 $0x1B8E;
	s24 =	sld [smem:$0x3FFE];
	[sflag:s23] =	ssyncadd.s32 $0xFFFFFFFF  }
0xa5: {  	s26 =	simm.s32 $execute0_lowered;
	[smem:$0x3FD2] =	sst s25  }
0xa6: {  	s5 =	sshll.u32 s26, $0x1;
	_ =	strace $0x80000046;
	[dreg:$0x1] =	wrdreg $0xFFFFFFFF  }
0xa7: {  	s28 =	simm.s32 $_size_execute0_lowered;
	s3 =	sadd.s32 s3, s5;
	[dreg:$0x0] =	wrdreg $0x0  }
0xa8: {  	s5 =	sshll.u32 s28, $0x1;
	[dreg:$0x2] =	wrdreg s3  }
0xa9: {  	[dreg:$0x3] =	wrdreg s5  }
0xaa: {  	[dreg:$0x4] =	wrdreg $0xC0  }
0xab: {  	_ =	task [dreg:s7], $0x5FFFF  }
0xac: {  	[dreg:$0x1] =	wrdreg $0xFFFFFFFF  }
0xad: {  	[dreg:$0x0] =	wrdreg $0x60  }
0xae: {  	[dreg:$0x2] =	wrdreg s24  }
0xaf: {  	[dreg:$0x3] =	wrdreg s2  }
0xb0: {  	[dreg:$0x4] =	wrdreg $0x9  }
0xb1: {  	_ =	task.clear_ibuf [dreg:s7], $0x5FFFF;
	_ =	strace $0x90000046  }
0xb2: {  	s29 =	simm.s32 $0x9;
	_ =	strace $0x80000048  }
0xb3: {  	_ =	swait.ge [sflag:s29], $0x1  }
0xb4: {  	[sflag:s29] =	ssyncadd.s32 $0xFFFFFFFF  }
0xb5: {  	_ =	strace $0x90000048  }
0xb6: {  	_ =	sfence  }
0xb7: {  	s30 =	sld [smem:$0x0];
	_ =	sdelay $0x2  }
0xb8: {  	s31 =	sshll.u32 s1, $0xD;
	s1 =	sshrl.u32 s1, $0x2  }
0xb9: {  	s3 =	sand.u32 $0x4000, s31;
	s1 =	sadd.s32 s1, s30  }
0xba: {  	s0 =	sor.u32 s3, s0;
	s1 =	sshll.u32 s1, $0x11  }
0xbb: {  	s0 =	sor.u32 s1, s0  }
0xbc: {  	s0 =	sadd.s32 $0x8F2B, s0  }
0xbd: {  	[sflag:s0] =	ssyncadd.remote.s32 $0x1  }
0xbe: {  	_ =	sfence.sel $0xFFFF  }
0xbf: {  	[dreg:$0x0] =	wrdreg $0xFFFFFFFF;
	(pc) =	sbr.abs _section_cstart, $3  }
0xc0: {  	[dreg:$0x1] =	wrdreg $0xFFFFFFFF  }
0xc1: {  	_ =	task.clear_ibuf [dreg:s7], $0x2FFFF;
	_ =	strace $0x9FFFFFFF  }
0xc2: {  	(tm) =	ssettm $0x7FFFFFFF  }
0xc3: {  	_ =	shalt  }
tec
execute0_lowered:
.L_overlay_start_1:
0x0: {  	(tag) =	ssettag $0x1  }
0x1: {  	s1 =	srdreg.scid  }
0x2: {  	s0 =	stileid.u32;
	s3 =	rddreg [dreg:$0x0]  }
0x3: {  	s6 =	rddreg [dreg:$0x1];
	s2 =	simm.s32 $0x0;
	s9 =	simm.s32 $0x19000  }
0x4: {  	s10 =	simm.s32 $0x3;
	s11 =	simm.s32 $0x1;
	s12 =	simm.s32 $0x1A398  }
0x5: {  	s13 =	simm.s32 $0x2;
	s4 =	sand.u32 $0x1, s1;
	s31 =	sshll.u32 s0, $0x1  }
0x6: {  	s14 =	simm.s32 $0x0;
	s1 =	rddreg [dreg:$0x2];
	s7 =	sor.u32 s4, s31  }
0x7: {  	[smem:$0x7FF] =	sst s2;
	s4 =	ssub.s32 $0x2, s4;
	s5 =	smul.u32 $0x19000, s7  }
0x8: {  	_ =	strace $0x80000047;
	s8 =	sshrl.u32 s4, $0x1;
	s7 =	sshll.u32 s7, $0xA  }
0x9: {  	s8 =	ssub.s32 s4, s8;
	s6 =	sadd.s32 s6, s7;
	s5 =	sshrl.u32 s5, $0x3  }
0xa: {  	s7 =	smax.u32 s8, $0x1;
	s8 =	simm.s32 $0xC800;
	s5 =	sadd.s32 s5, s3  }
0xb: {  	v1 =	vimm.bf16 $0.0e+00;
	s3 =	sadd.s32 $0x64600, s3;
	s4 =	sadd.s32 $0x600, s5;
	s5 =	sadd.s32 $0x1F00, s5  }
.LBB2_1:
0xc: {  	[tilespmem:s2], [sflag:$0x1] =	stream.linear.gather [hbm4b:s4+s2], $0xC800, $0x38;
	[tilespmem:$0x1C398] =	vst v63  }
0xd: {  	_ = 	snop  }
0xe: {  	[tilespmem:s8], [sflag:$0x2] =	stream.linear.gather [hbm4b:s5+s2], $0xC800, $0x38;
	[tilespmem:$0x1C398] =	vst v63  }
0xf: {  	_ = 	snop  }
0x10: {  	[tilespmem:s9], [sflag:$0x3] =	stream.linear.gather [hbm4b:s3+s2], $0x1398, $0x38;
	[tilespmem:$0x1C398] =	vst v63  }
0x11: {  	_ =	swait.ge [sflag:s10], $0x1398  }
0x12: {  	[sflag:s10] =	ssyncset.done $0x0  }
0x13: {  	[sflag:s10] =	ssyncadd.s32 $0xFFFFEC68  }
0x14: {  	v10 =	vld [tilespmem:$0x1A388];
	_ =	sdelay $0x4  }
0x15: {  	v0 =	vbroadcast v10, $0x0;
	_ =	sdelay $0x1  }
0x16: {  	[tilespmem:$0x1FFD0] =	vst v0;
	v0 =	vbroadcast v10, $0x1;
	_ =	sdelay $0x1  }
0x17: {  	v4 =	vbroadcast v10, $0x2;
	[tilespmem:$0x1FFE0] =	vst v0  }
0x18: {  	v5 =	vbroadcast v10, $0x3;
	v0 =	vbroadcast v10, $0x8;
	_ =	swait.ge [sflag:s11], $0xC800  }
0x19: {  	v6 =	vbroadcast v10, $0x4;
	v7 =	vbroadcast v10, $0x5;
	[sflag:s11] =	ssyncset.done $0x0  }
0x1a: {  	s15 =	simm.s32 $0x0;
	v8 =	vbroadcast v10, $0x6;
	v9 =	vbroadcast v10, $0x7;
	[tilespmem:$0x1FFF0] =	vst v0;
	[sflag:s11] =	ssyncadd.s32 $0xFFFF3800  }
.LBB2_2:
0x1b: {  	s16 =	sshll.u32 s15, $0x4;
	v0 =	vlaneseq.u32  }
0x1c: {  	v11 =	vor.u32 s16, v0  }
0x1d: {  	v13 =	vmul.u32 $0xC8, v11  }
0x1e: {  	s23 =	simm.s32 $0x0  }
0x1f: {  	s24 =	simm.s32 $0x1;
	v12 =	vadd.s32 s23, v13  }
0x20: {  	s25 =	simm.s32 $0x2;
	v14 =	vadd.s32 s24, v13  }
0x21: {  	s26 =	simm.s32 $0x3;
	v15 =	vadd.s32 s25, v13  }
0x22: {  	s28 =	simm.s32 $0x4;
	v16 =	vadd.s32 s26, v13  }
0x23: {  	s29 =	simm.s32 $0x5;
	v0 =	vld [tilespmem:$0x1FFF0];
	v17 =	vadd.s32 s28, v13  }
0x24: {  	s30 =	simm.s32 $0x6;
	v18 =	vadd.s32 s29, v13;
	v12 =	vld.idx.msk [tilespmem:v12+s2+$0x0], $0xffff  }
0x25: {  	s31 =	simm.s32 $0x7;
	v20 =	vadd.s32 s30, v13;
	v14 =	vld.idx.msk [tilespmem:v14+s2+$0x0], $0xffff  }
0x26: {  	v22 =	vadd.s32 s31, v13;
	v15 =	vld.idx.msk [tilespmem:v15+s2+$0x0], $0xffff  }
0x27: {  	v16 =	vld.idx.msk [tilespmem:v16+s2+$0x0], $0xffff  }
0x28: {  	v17 =	vld.idx.msk [tilespmem:v17+s2+$0x0], $0xffff  }
0x29: {  	v24 =	vld.idx.msk [tilespmem:v18+s2+$0x0], $0xffff;
	v19 =	vadd.s32 $0xFA0, v12  }
0x2a: {  	v23 =	vld.idx.msk [tilespmem:v20+s2+$0x0], $0xffff;
	v21 =	vadd.s32 $0xFA0, v14  }
0x2b: {  	v22 =	vld.idx.msk [tilespmem:v22+s2+$0x0], $0xffff;
	v26 =	vadd.s32 $0xFA0, v15  }
0x2c: {  	v18 =	vadd.s32 $0x3E8, v12;
	v27 =	vadd.s32 $0xFA0, v16;
	v25 =	vld.idx.msk [tilespmem:v12+s9+$0x0], $0xffff  }
0x2d: {  	v30 =	vadd.s32 $0x3E8, v14;
	v32 =	vadd.s32 $0x7D0, v14;
	v34 =	vadd.s32 $0xBB8, v14;
	v14 =	vld.idx.msk [tilespmem:v14+s9+$0x0], $0xffff  }
0x2e: {  	v20 =	vadd.s32 $0x7D0, v12;
	v19 =	vld.idx.msk [tilespmem:v19+s9+$0x0], $0xffff  }
0x2f: {  	v28 =	vadd.s32 $0xFA0, v17;
	v21 =	vld.idx.msk [tilespmem:v21+s9+$0x0], $0xffff  }
0x30: {  	v29 =	vadd.s32 $0xFA0, v24;
	v26 =	vld.idx.msk [tilespmem:v26+s9+$0x0], $0xffff  }
0x31: {  	v18 =	vld.idx.msk [tilespmem:v18+s9+$0x0], $0xffff  }
0x32: {  	v27 =	vld.idx.msk [tilespmem:v27+s9+$0x0], $0xffff  }
0x33: {  	v20 =	vld.idx.msk [tilespmem:v20+s9+$0x0], $0xffff  }
0x34: {  	v35 =	vadd.s32 $0x3E8, v15;
	v28 =	vld.idx.msk [tilespmem:v28+s9+$0x0], $0xffff  }
0x35: {  	v36 =	vadd.s32 $0xBB8, v15;
	v29 =	vld.idx.msk [tilespmem:v29+s9+$0x0], $0xffff  }
0x36: {  	v63 =	vadd.s32 $0x3E8, v16;
	v30 =	vld.idx.msk [tilespmem:v30+s9+$0x0], $0xffff  }
0x37: {  	v37 =	vadd.s32 $0xBB8, v16;
	v32 =	vld.idx.msk [tilespmem:v32+s9+$0x0], $0xffff  }
0x38: {  	v12 =	vadd.s32 $0xBB8, v12;
	v62 =	vld.idx.msk [tilespmem:v34+s9+$0x0], $0xffff;
	v19 =	vadd.bf16 v1, v19  }
0x39: {  	v31 =	vadd.s32 $0xFA0, v23;
	v35 =	vld.idx.msk [tilespmem:v35+s9+$0x0], $0xffff  }
0x3a: {  	v38 =	vadd.s32 $0x3E8, v17;
	v36 =	vld.idx.msk [tilespmem:v36+s9+$0x0], $0xffff;
	v19 =	vadd.bf16 v21, v19  }
0x3b: {  	v34 =	vld.idx.msk [tilespmem:v63+s9+$0x0], $0xffff  }
0x3c: {  	v33 =	vadd.s32 $0xFA0, v22;
	v37 =	vld.idx.msk [tilespmem:v37+s9+$0x0], $0xffff;
	v19 =	vadd.bf16 v26, v19  }
0x3d: {  	v39 =	vadd.s32 $0xBB8, v17;
	v12 =	vld.idx.msk [tilespmem:v12+s9+$0x0], $0xffff  }
0x3e: {  	v21 =	vld.idx.msk [tilespmem:v31+s9+$0x0], $0xffff;
	v31 =	vadd.s32 $0x7D0, v15;
	v19 =	vadd.bf16 v27, v19  }
0x3f: {  	v41 =	vadd.s32 $0x7D0, v24;
	v43 =	vld.idx.msk [tilespmem:v38+s9+$0x0], $0xffff  }
0x40: {  	v18 =	vadd.bf16 v1, v18;
	v15 =	vld.idx.msk [tilespmem:v15+s9+$0x0], $0xffff;
	v19 =	vadd.bf16 v28, v19  }
0x41: {  	v25 =	vadd.bf16 v1, v25;
	v26 =	vld.idx.msk [tilespmem:v33+s9+$0x0], $0xffff;
	v27 =	vadd.s32 $0x7D0, v16  }
0x42: {  	v40 =	vadd.s32 $0x3E8, v24;
	v18 =	vadd.bf16 v30, v18;
	v33 =	vld.idx.msk [tilespmem:v39+s9+$0x0], $0xffff;
	v19 =	vadd.bf16 v29, v19  }
0x43: {  	v20 =	vadd.bf16 v1, v20;
	v12 =	vadd.bf16 v1, v12;
	v31 =	vld.idx.msk [tilespmem:v31+s9+$0x0], $0xffff;
	v29 =	vadd.s32 $0x7D0, v17  }
0x44: {  	v18 =	vadd.bf16 v35, v18;
	v35 =	vld.idx.msk [tilespmem:v41+s9+$0x0], $0xffff;
	v19 =	vadd.bf16 v21, v19  }
0x45: {  	v14 =	vadd.bf16 v14, v25;
	v20 =	vadd.bf16 v32, v20;
	v16 =	vld.idx.msk [tilespmem:v16+s9+$0x0], $0xffff  }
0x46: {  	v42 =	vadd.s32 $0xBB8, v24;
	v21 =	vld.idx.msk [tilespmem:v27+s9+$0x0], $0xffff;
	v19 =	vadd.bf16 v26, v19;
	v26 =	vadd.bf16 v62, v12  }
0x47: {  	v14 =	vadd.bf16 v15, v14;
	v15 =	vadd.bf16 v34, v18;
	v34 =	vld.idx.msk [tilespmem:v40+s9+$0x0], $0xffff  }
0x48: {  	v32 =	vld.idx.msk [tilespmem:v29+s9+$0x0], $0xffff;
	v12 =	vshll.u32 v19, $0x10;
	v19 =	vadd.bf16 v31, v20;
	v20 =	vadd.bf16 v36, v26  }
0x49: {  	v25 =	vadd.s32 $0xBB8, v22;
	v28 =	vadd.s32 $0x3E8, v23;
	v40 =	vadd.bf16 v43, v15;
	v15 =	vld [tilespmem:$0x1FFD0]  }
0x4a: {  	v30 =	vadd.s32 $0xBB8, v23;
	v18 =	vmovc v7;
	v39 =	vadd.bf16 v16, v14;
	v29 =	vadd.s32 $0x7D0, v23;
	v31 =	vld.idx.msk [tilespmem:v17+s9+$0x0], $0xffff  }
0x4b: {  	v16 =	vmovc v9;
	v27 =	vadd.s32 $0x3E8, v22;
	v26 =	vadd.s32 $0x7D0, v22;
	v36 =	vld.idx.msk [tilespmem:v42+s9+$0x0], $0xffff;
	v17 =	vmovc v8;
	v38 =	vadd.bf16 v21, v19  }
0x4c: {  	s18 =	simm.s32 $0x8;
	s17 =	simm.s32 $0x17;
	s16 =	simm.s32 $0xF;
	v14 =	vld [tilespmem:$0x1FFE0];
	v12 =	vadd.f32 v12, v0;
	v37 =	vadd.bf16 v37, v20;
	v21 =	vmovc v4;
	v20 =	vmovc v5;
	v19 =	vmov v6  }
.LBB2_3:
0x4d: {  	p0 =	sne.s32 s17, $0xC7;
	v41 =	vadd.s32 s18, v13;
	v32 =	vadd.bf16 v32, v38;
	v24 =	vld.idx.msk [tilespmem:v24+s9+$0x0], $0xffff  }
0x4e: {  	s18 =	sadd.s32 $0xFFFFFFFA, s16;
	v33 =	vadd.bf16 v33, v37;
	v28 =	vld.idx.msk [tilespmem:v28+s9+$0x0], $0xffff  }
0x4f: {  	v37 =	vadd.s32 s18, v13;
	v31 =	vadd.bf16 v31, v39;
	v29 =	vld.idx.msk [tilespmem:v29+s9+$0x0], $0xffff  }
0x50: {  	s18 =	sadd.s32 $0xFFFFFFFB, s16;
	v34 =	vadd.bf16 v34, v40;
	v30 =	vld.idx.msk [tilespmem:v30+s9+$0x0], $0xffff  }
0x51: {  	v38 =	vadd.s32 s18, v13;
	v32 =	vadd.bf16 v35, v32;
	v23 =	vld.idx.msk [tilespmem:v23+s9+$0x0], $0xffff  }
0x52: {  	s18 =	sadd.s32 $0xFFFFFFFC, s16;
	v33 =	vadd.bf16 v36, v33;
	v35 =	vld.idx.msk [tilespmem:v41+s2+$0x0], $0xffff  }
0x53: {  	v36 =	vadd.s32 s18, v13;
	v24 =	vadd.bf16 v24, v31;
	v27 =	vld.idx.msk [tilespmem:v27+s9+$0x0], $0xffff  }
0x54: {  	s18 =	sadd.s32 $0xFFFFFFFD, s16;
	v28 =	vadd.bf16 v28, v34;
	v37 =	vld.idx.msk [tilespmem:v37+s2+$0x0], $0xffff  }
0x55: {  	v31 =	vadd.s32 s18, v13;
	v29 =	vadd.bf16 v29, v32;
	v26 =	vld.idx.msk [tilespmem:v26+s9+$0x0], $0xffff  }
0x56: {  	s18 =	sadd.s32 $0xFFFFFFFE, s16;
	v30 =	vadd.bf16 v30, v33;
	v34 =	vld.idx.msk [tilespmem:v38+s2+$0x0], $0xffff  }
0x57: {  	v33 =	vadd.s32 s18, v13;
	v38 =	vadd.bf16 v23, v24;
	v23 =	vld.idx.msk [tilespmem:v25+s9+$0x0], $0xffff  }
0x58: {  	s18 =	sadd.s32 $0xFFFFFFFF, s16;
	v25 =	vadd.s32 $0x3E8, v35;
	v39 =	vadd.s32 $0x7D0, v35;
	v40 =	vadd.s32 $0xFA0, v35;
	v32 =	vld.idx.msk [tilespmem:v36+s2+$0x0], $0xffff  }
0x59: {  	v41 =	vadd.s32 s18, v13;
	v36 =	vadd.s32 $0xBB8, v35;
	v27 =	vadd.bf16 v27, v28;
	v22 =	vld.idx.msk [tilespmem:v22+s9+$0x0], $0xffff  }
0x5a: {  	v42 =	vadd.s32 $0x3E8, v37;
	v43 =	vadd.s32 $0x7D0, v37;
	v28 =	vadd.s32 $0xFA0, v37;
	v31 =	vld.idx.msk [tilespmem:v31+s2+$0x0], $0xffff  }
0x5b: {  	v45 =	vadd.s32 s16, v13;
	s16 =	smov.u32 s17;
	v44 =	vadd.s32 $0xBB8, v37;
	v26 =	vadd.bf16 v26, v29;
	v35 =	vld.idx.msk [tilespmem:v35+s9+$0x0], $0xffff  }
0x5c: {  	v46 =	vadd.s32 $0x3E8, v34;
	v47 =	vadd.s32 $0x7D0, v34;
	v29 =	vadd.s32 $0xFA0, v34;
	v24 =	vld.idx.msk [tilespmem:v33+s2+$0x0], $0xffff  }
0x5d: {  	v49 =	vshll.u32 v27, $0x10;
	v48 =	vadd.bf16 v23, v30;
	v33 =	vld.idx.msk [tilespmem:v40+s9+$0x0], $0xffff;
	v40 =	vadd.s32 $0xBB8, v34  }
0x5e: {  	v50 =	vadd.s32 $0x3E8, v32;
	v51 =	vadd.s32 $0x7D0, v32;
	v30 =	vadd.s32 $0xFA0, v32;
	v23 =	vld.idx.msk [tilespmem:v41+s2+$0x0], $0xffff  }
0x5f: {  	v53 =	vand.u32 $0xFFFF0000, v27;
	v52 =	vadd.s32 $0xBB8, v32;
	v38 =	vadd.bf16 v22, v38;
	v41 =	vld.idx.msk [tilespmem:v28+s9+$0x0], $0xffff  }
0x60: {  	v54 =	vadd.s32 $0x3E8, v31;
	v55 =	vadd.s32 $0x7D0, v31;
	v27 =	vadd.s32 $0xFA0, v31;
	v22 =	vld.idx.msk [tilespmem:v45+s2+$0x0], $0xffff  }
0x61: {  	v57 =	vshll.u32 v26, $0x10;
	v56 =	vadd.s32 $0xBB8, v31;
	v35 =	vadd.bf16 v1, v35;
	v45 =	vld.idx.msk [tilespmem:v29+s9+$0x0], $0xffff  }
0x62: {  	v59 =	vadd.s32 $0x3E8, v24;
	v60 =	vadd.s32 $0x7D0, v24;
	v58 =	vld.idx.msk [tilespmem:v25+s9+$0x0], $0xffff;
	v25 =	vadd.s32 $0xFA0, v24  }
0x63: {  	v63 =	vand.u32 $0xFFFF0000, v26;
	v62 =	vadd.s32 $0xBB8, v24;
	v33 =	vadd.bf16 v1, v33;
	v61 =	vld.idx.msk [tilespmem:v30+s9+$0x0], $0xffff  }
0x64: {  	v28 =	vadd.s32 $0x3E8, v23;
	v29 =	vadd.s32 $0x7D0, v23;
	v0 =	vadd.s32 $0xFA0, v23;
	v39 =	vld.idx.msk [tilespmem:v39+s9+$0x0], $0xffff  }
0x65: {  	v10 =	vshll.u32 v48, $0x10;
	v30 =	vadd.s32 $0xBB8, v23;
	v33 =	vadd.bf16 v41, v33;
	v41 =	vld.idx.msk [tilespmem:v27+s9+$0x0], $0xffff  }
0x66: {  	v27 =	vadd.s32 $0x3E8, v22;
	v26 =	vadd.s32 $0x7D0, v22;
	v2 =	vadd.s32 $0xFA0, v22;
	v36 =	vld.idx.msk [tilespmem:v36+s9+$0x0], $0xffff  }
0x67: {  	v48 =	vand.u32 $0xFFFF0000, v48;
	v33 =	vadd.bf16 v45, v33;
	v45 =	vld.idx.msk [tilespmem:v25+s9+$0x0], $0xffff;
	v25 =	vadd.s32 $0xBB8, v22  }
0x68: {  	v3 =	vshll.u32 v38, $0x10;
	v38 =	vand.u32 $0xFFFF0000, v38;
	v58 =	vadd.bf16 v1, v58;
	v42 =	vld.idx.msk [tilespmem:v42+s9+$0x0], $0xffff  }
0x69: {  	v21 =	vadd.f32 v49, v21;
	v33 =	vadd.bf16 v61, v33;
	v0 =	vld.idx.msk [tilespmem:v0+s9+$0x0], $0xffff  }
0x6a: {  	v20 =	vadd.f32 v53, v20;
	v39 =	vadd.bf16 v1, v39;
	v43 =	vld.idx.msk [tilespmem:v43+s9+$0x0], $0xffff  }
0x6b: {  	v19 =	vadd.f32 v57, v19;
	v33 =	vadd.bf16 v41, v33;
	v2 =	vld.idx.msk [tilespmem:v2+s9+$0x0], $0xffff  }
0x6c: {  	v18 =	vadd.f32 v63, v18;
	v36 =	vadd.bf16 v1, v36;
	v41 =	vld.idx.msk [tilespmem:v44+s9+$0x0], $0xffff  }
0x6d: {  	v17 =	vadd.f32 v10, v17;
	v33 =	vadd.bf16 v45, v33;
	v37 =	vld.idx.msk [tilespmem:v37+s9+$0x0], $0xffff  }
0x6e: {  	v16 =	vadd.f32 v48, v16;
	v10 =	vadd.bf16 v42, v58;
	v42 =	vld.idx.msk [tilespmem:v46+s9+$0x0], $0xffff  }
0x6f: {  	v15 =	vadd.f32 v3, v15;
	v0 =	vadd.bf16 v0, v33;
	v44 =	vld.idx.msk [tilespmem:v47+s9+$0x0], $0xffff  }
0x70: {  	v14 =	vadd.f32 v38, v14;
	v3 =	vadd.bf16 v43, v39;
	v33 =	vld.idx.msk [tilespmem:v40+s9+$0x0], $0xffff  }
0x71: {  	v0 =	vadd.bf16 v2, v0;
	v34 =	vld.idx.msk [tilespmem:v34+s9+$0x0], $0xffff  }
0x72: {  	v2 =	vadd.bf16 v41, v36;
	v36 =	vld.idx.msk [tilespmem:v50+s9+$0x0], $0xffff  }
0x73: {  	v35 =	vadd.bf16 v37, v35;
	v0 =	vshll.u32 v0, $0x10;
	v37 =	vld.idx.msk [tilespmem:v51+s9+$0x0], $0xffff  }
0x74: {  	v10 =	vadd.bf16 v42, v10;
	v12 =	vadd.f32 v0, v12;
	v39 =	vld.idx.msk [tilespmem:v52+s9+$0x0], $0xffff  }
0x75: {  	v0 =	vadd.bf16 v44, v3;
	v3 =	vld.idx.msk [tilespmem:v32+s9+$0x0], $0xffff  }
0x76: {  	v2 =	vadd.bf16 v33, v2;
	v40 =	vld.idx.msk [tilespmem:v54+s9+$0x0], $0xffff  }
0x77: {  	v35 =	vadd.bf16 v34, v35;
	v32 =	vld.idx.msk [tilespmem:v55+s9+$0x0], $0xffff  }
.Ltmp0:
0x78: {  	v10 =	vadd.bf16 v36, v10;
	v33 =	vld.idx.msk [tilespmem:v56+s9+$0x0], $0xffff;
	(pc) =	sbr.rel @p0 .LBB2_3-.Ltmp0, $4  }
0x79: {  	v38 =	vadd.bf16 v37, v0;
	v31 =	vld.idx.msk [tilespmem:v31+s9+$0x0], $0xffff  }
0x7a: {  	v37 =	vadd.bf16 v39, v2;
	v34 =	vld.idx.msk [tilespmem:v59+s9+$0x0], $0xffff  }
0x7b: {  	v39 =	vadd.bf16 v3, v35;
	v35 =	vld.idx.msk [tilespmem:v60+s9+$0x0], $0xffff  }
0x7c: {  	s17 =	sadd.s32 $0x8, s17;
	s18 =	sadd.s32 $0xFFFFFFF9, s16;
	v40 =	vadd.bf16 v40, v10;
	v36 =	vld.idx.msk [tilespmem:v62+s9+$0x0], $0xffff  }
0x7d: {  	_ =	sdelay $0x3  }
0x7e: {  	v2 =	vld.idx.msk [tilespmem:v24+s9+$0x0], $0xffff  }
0x7f: {  	v3 =	vld.idx.msk [tilespmem:v28+s9+$0x0], $0xffff  }
0x80: {  	v24 =	vld.idx.msk [tilespmem:v29+s9+$0x0], $0xffff  }
0x81: {  	v28 =	vld.idx.msk [tilespmem:v30+s9+$0x0], $0xffff  }
0x82: {  	v0 =	vadd.s32 s18, v13;
	s17 =	sadd.s32 $0xFFFFFFFA, s16;
	v23 =	vld.idx.msk [tilespmem:v23+s9+$0x0], $0xffff  }
0x83: {  	v27 =	vld.idx.msk [tilespmem:v27+s9+$0x0], $0xffff;
	v10 =	vadd.s32 s17, v13  }
0x84: {  	s26 =	sadd.s32 $0xFFFFFFFB, s16;
	v26 =	vld.idx.msk [tilespmem:v26+s9+$0x0], $0xffff;
	v62 =	vadd.s32 s16, v13  }
0x85: {  	s28 =	sadd.s32 $0xFFFFFFFC, s16;
	v25 =	vld.idx.msk [tilespmem:v25+s9+$0x0], $0xffff;
	v60 =	vadd.s32 s26, v13  }
0x86: {  	s29 =	sadd.s32 $0xFFFFFFFD, s16;
	v22 =	vld.idx.msk [tilespmem:v22+s9+$0x0], $0xffff;
	v61 =	vadd.s32 s28, v13  }
0x87: {  	s30 =	sadd.s32 $0xFFFFFFFE, s16;
	v41 =	vadd.s32 s29, v13;
	v0 =	vld.idx.msk [tilespmem:v0+s2+$0x0], $0xffff  }
0x88: {  	s31 =	sadd.s32 $0xFFFFFFFF, s16;
	v42 =	vadd.s32 s30, v13;
	v10 =	vld.idx.msk [tilespmem:v10+s2+$0x0], $0xffff  }
0x89: {  	v44 =	vadd.s32 s31, v13;
	v13 =	vld.idx.msk [tilespmem:v62+s2+$0x0], $0xffff  }
0x8a: {  	v29 =	vld.idx.msk [tilespmem:v60+s2+$0x0], $0xffff  }
0x8b: {  	v30 =	vld.idx.msk [tilespmem:v61+s2+$0x0], $0xffff  }
0x8c: {  	v41 =	vld.idx.msk [tilespmem:v41+s2+$0x0], $0xffff;
	v43 =	vadd.s32 $0xFA0, v0  }
0x8d: {  	v42 =	vld.idx.msk [tilespmem:v42+s2+$0x0], $0xffff;
	v48 =	vadd.s32 $0x3E8, v0  }
0x8e: {  	v44 =	vld.idx.msk [tilespmem:v44+s2+$0x0], $0xffff;
	v50 =	vadd.s32 $0x7D0, v0  }
0x8f: {  	v56 =	vadd.s32 $0xFA0, v13;
	v45 =	vadd.s32 $0xFA0, v10;
	v46 =	vld.idx.msk [tilespmem:v0+s9+$0x0], $0xffff  }
0x90: {  	v53 =	vadd.s32 $0x3E8, v10;
	v55 =	vadd.s32 $0x7D0, v10;
	v57 =	vadd.s32 $0xBB8, v10;
	v10 =	vld.idx.msk [tilespmem:v10+s9+$0x0], $0xffff  }
0x91: {  	v47 =	vadd.s32 $0xFA0, v29;
	v43 =	vld.idx.msk [tilespmem:v43+s9+$0x0], $0xffff  }
0x92: {  	v33 =	vadd.bf16 v33, v37;
	v49 =	vadd.s32 $0xFA0, v30;
	v48 =	vld.idx.msk [tilespmem:v48+s9+$0x0], $0xffff  }
0x93: {  	v51 =	vadd.s32 $0xFA0, v41;
	v50 =	vld.idx.msk [tilespmem:v50+s9+$0x0], $0xffff  }
0x94: {  	v33 =	vadd.bf16 v36, v33;
	v52 =	vadd.s32 $0xFA0, v42;
	v36 =	vld.idx.msk [tilespmem:v56+s9+$0x0], $0xffff  }
0x95: {  	v45 =	vld.idx.msk [tilespmem:v45+s9+$0x0], $0xffff  }
0x96: {  	v54 =	vadd.s32 $0xFA0, v44;
	v47 =	vld.idx.msk [tilespmem:v47+s9+$0x0], $0xffff  }
0x97: {  	v49 =	vld.idx.msk [tilespmem:v49+s9+$0x0], $0xffff  }
0x98: {  	v32 =	vadd.bf16 v32, v38;
	v51 =	vld.idx.msk [tilespmem:v51+s9+$0x0], $0xffff  }
0x99: {  	v31 =	vadd.bf16 v31, v39;
	v63 =	vadd.s32 $0x3E8, v29;
	v52 =	vld.idx.msk [tilespmem:v52+s9+$0x0], $0xffff  }
0x9a: {  	v34 =	vadd.bf16 v34, v40;
	v32 =	vadd.bf16 v35, v32;
	v38 =	vld.idx.msk [tilespmem:v53+s9+$0x0], $0xffff  }
0x9b: {  	v2 =	vadd.bf16 v2, v31;
	v59 =	vadd.s32 $0xBB8, v30;
	v39 =	vld.idx.msk [tilespmem:v54+s9+$0x0], $0xffff  }
0x9c: {  	v3 =	vadd.bf16 v3, v34;
	v24 =	vadd.bf16 v24, v32;
	v40 =	vld.idx.msk [tilespmem:v55+s9+$0x0], $0xffff  }
0x9d: {  	v28 =	vadd.bf16 v28, v33;
	v2 =	vadd.bf16 v23, v2;
	v37 =	vadd.s32 $0x7D0, v41;
	v32 =	vld.idx.msk [tilespmem:v57+s9+$0x0], $0xffff  }
0x9e: {  	v3 =	vadd.bf16 v27, v3;
	v24 =	vadd.bf16 v26, v24;
	v0 =	vadd.s32 $0xBB8, v0;
	v34 =	vld.idx.msk [tilespmem:v63+s9+$0x0], $0xffff  }
0x9f: {  	v56 =	vadd.s32 $0x7D0, v30;
	v53 =	vadd.s32 $0x7D0, v29;
	v54 =	vadd.s32 $0xBB8, v29;
	v29 =	vld.idx.msk [tilespmem:v29+s9+$0x0], $0xffff  }
0xa0: {  	v25 =	vadd.bf16 v25, v28;
	v60 =	vshll.u32 v3, $0x10;
	v2 =	vadd.bf16 v22, v2;
	v26 =	vld.idx.msk [tilespmem:v59+s9+$0x0], $0xffff  }
0xa1: {  	v3 =	vand.u32 $0xFFFF0000, v3;
	v21 =	vadd.f32 v60, v21;
	v55 =	vadd.s32 $0x3E8, v30;
	v30 =	vld.idx.msk [tilespmem:v30+s9+$0x0], $0xffff  }
0xa2: {  	v3 =	vadd.f32 v3, v20;
	v62 =	vadd.s32 $0x3E8, v41;
	v60 =	vadd.s32 $0x3E8, v44;
	v37 =	vld.idx.msk [tilespmem:v37+s9+$0x0], $0xffff  }
0xa3: {  	v63 =	vshll.u32 v24, $0x10;
	v24 =	vand.u32 $0xFFFF0000, v24;
	v0 =	vld.idx.msk [tilespmem:v0+s9+$0x0], $0xffff;
	v58 =	vadd.bf16 v1, v43  }
0xa4: {  	v19 =	vadd.f32 v63, v19;
	v63 =	vshll.u32 v25, $0x10;
	v18 =	vadd.f32 v24, v18;
	v27 =	vld.idx.msk [tilespmem:v56+s9+$0x0], $0xffff  }
0xa5: {  	v25 =	vand.u32 $0xFFFF0000, v25;
	v17 =	vadd.f32 v63, v17;
	v56 =	vld.idx.msk [tilespmem:v42+s9+$0x0], $0xffff;
	v61 =	vadd.bf16 v45, v58  }
0xa6: {  	v57 =	vadd.s32 $0x7D0, v42;
	v16 =	vadd.f32 v25, v16;
	v43 =	vadd.bf16 v1, v46;
	v28 =	vld.idx.msk [tilespmem:v53+s9+$0x0], $0xffff  }
0xa7: {  	v48 =	vadd.bf16 v1, v48;
	v31 =	vld.idx.msk [tilespmem:v54+s9+$0x0], $0xffff;
	v45 =	vadd.s32 $0xBB8, v41;
	v22 =	vadd.bf16 v47, v61  }
0xa8: {  	v59 =	vadd.bf16 v1, v50;
	v50 =	vshll.u32 v2, $0x10;
	v23 =	vld.idx.msk [tilespmem:v55+s9+$0x0], $0xffff;
	v58 =	vadd.s32 $0xBB8, v42  }
0xa9: {  	v15 =	vadd.f32 v50, v15;
	v41 =	vld.idx.msk [tilespmem:v41+s9+$0x0], $0xffff;
	v47 =	vadd.s32 $0x3E8, v42;
	v22 =	vadd.bf16 v49, v22  }
0xaa: {  	v2 =	vand.u32 $0xFFFF0000, v2;
	v10 =	vadd.bf16 v10, v43;
	v35 =	vadd.bf16 v40, v59;
	v59 =	vld.idx.msk [tilespmem:v60+s9+$0x0], $0xffff  }
0xab: {  	v0 =	vadd.bf16 v1, v0;
	v61 =	vadd.bf16 v51, v22;
	v22 =	vld.idx.msk [tilespmem:v62+s9+$0x0], $0xffff;
	v62 =	vadd.s32 $0x7D0, v44  }
0xac: {  	v2 =	vadd.f32 v2, v14;
	v10 =	vadd.bf16 v29, v10;
	v24 =	vld.idx.msk [tilespmem:v45+s9+$0x0], $0xffff  }
0xad: {  	v53 =	vadd.s32 $0xBB8, v44;
	v38 =	vadd.bf16 v38, v48;
	v0 =	vadd.bf16 v32, v0;
	v55 =	vld.idx.msk [tilespmem:v58+s9+$0x0], $0xffff  }
0xae: {  	v28 =	vadd.bf16 v28, v35;
	v10 =	vadd.bf16 v30, v10;
	v51 =	vld.idx.msk [tilespmem:v47+s9+$0x0], $0xffff  }
0xaf: {  	v58 =	vadd.bf16 v34, v38;
	v20 =	vadd.bf16 v52, v61;
	v52 =	vld.idx.msk [tilespmem:v57+s9+$0x0], $0xffff;
	v57 =	vadd.s32 $0x3E8, v13  }
0xb0: {  	v60 =	vadd.s32 $0x7D0, v13;
	v0 =	vadd.bf16 v31, v0;
	v27 =	vadd.bf16 v27, v28;
	v61 =	vld.idx.msk [tilespmem:v62+s9+$0x0], $0xffff  }
0xb1: {  	v10 =	vadd.bf16 v41, v10;
	v23 =	vadd.bf16 v23, v58;
	v62 =	vld.idx.msk [tilespmem:v44+s9+$0x0], $0xffff  }
0xb2: {  	v63 =	vadd.s32 $0xBB8, v13;
	v35 =	vld.idx.msk [tilespmem:v53+s9+$0x0], $0xffff;
	v0 =	vadd.bf16 v26, v0;
	v37 =	vadd.bf16 v37, v27  }
0xb3: {  	v13 =	vld.idx.msk [tilespmem:v13+s9+$0x0], $0xffff;
	v20 =	vadd.bf16 v39, v20;
	v22 =	vadd.bf16 v22, v23  }
0xb4: {  	v10 =	vadd.bf16 v56, v10;
	v0 =	vadd.bf16 v24, v0;
	v40 =	vld.idx.msk [tilespmem:v57+s9+$0x0], $0xffff  }
0xb5: {  	v41 =	vld.idx.msk [tilespmem:v60+s9+$0x0], $0xffff;
	v20 =	vadd.bf16 v36, v20;
	v22 =	vadd.bf16 v51, v22  }
0xb6: {  	v23 =	vadd.bf16 v52, v37;
	v10 =	vadd.bf16 v62, v10  }
0xb7: {  	v43 =	vld.idx.msk [tilespmem:v63+s9+$0x0], $0xffff;
	v0 =	vadd.bf16 v55, v0;
	v42 =	vadd.bf16 v59, v22  }
0xb8: {  	v23 =	vadd.bf16 v61, v23;
	v10 =	vadd.bf16 v13, v10  }
0xb9: {  	v0 =	vadd.bf16 v35, v0;
	v44 =	vadd.bf16 v40, v42  }
0xba: {  	v45 =	vadd.bf16 v41, v23;
	v46 =	vshll.u32 v10, $0x10;
	v10 =	vand.u32 $0xFFFF0000, v10  }
0xbb: {  	v47 =	vshll.u32 v44, $0x10;
	v15 =	vadd.f32 v46, v15;
	v2 =	vadd.f32 v10, v2  }
0xbc: {  	v0 =	vadd.bf16 v43, v0;
	v10 =	vand.u32 $0xFFFF0000, v44;
	v48 =	vadd.f32 v47, v21  }
0xbd: {  	v49 =	vshll.u32 v45, $0x10;
	v3 =	vadd.f32 v10, v3;
	v10 =	vmax.f32 v15, v2  }
0xbe: {  	v14 =	vand.u32 $0xFFFF0000, v45;
	v19 =	vadd.f32 v49, v19;
	v10 =	vmax.f32 v10, v48  }
0xbf: {  	v50 =	vshll.u32 v0, $0x10;
	v14 =	vadd.f32 v14, v18;
	v10 =	vmax.f32 v10, v3  }
0xc0: {  	v0 =	vand.u32 $0xFFFF0000, v0;
	v17 =	vadd.f32 v50, v17;
	v10 =	vmax.f32 v10, v19  }
0xc1: {  	v51 =	vshll.u32 v20, $0x10;
	v0 =	vadd.f32 v0, v16;
	v10 =	vmax.f32 v10, v14  }
0xc2: {  	v12 =	vadd.f32 v51, v12;
	v10 =	vmax.f32 v10, v17  }
0xc3: {  	v10 =	vmax.f32 v10, v0  }
0xc4: {  	v10 =	vmax.f32 v10, v12  }
0xc5: {  	v15 =	vsub.f32 v15, v10  }
0xc6: {  	v2 =	vsub.f32 v2, v10  }
0xc7: {  	v15 =	vmul.f32 $1.442695020e+00, v15  }
0xc8: {  	v13 =	vsub.f32 v48, v10;
	v2 =	vmul.f32 $1.442695020e+00, v2  }
0xc9: {  	(erf) = vpow2.f32 v15  }
0xca: {  	v3 =	vsub.f32 v3, v10;
	(erf) = vpow2.f32 v2;
	v2 =	vmul.f32 $1.442695020e+00, v13;
	_ =	sdelay $0x1  }
0xcb: {  	(erf) = vpow2.f32 v2;
	v2 =	vmul.f32 $1.442695020e+00, v3;
	v3 =	vsub.f32 v19, v10;
	_ =	sdelay $0x1  }
0xcc: {  	(erf) = vpow2.f32 v2;
	v2 =	vmul.f32 $1.442695020e+00, v3;
	v3 =	vsub.f32 v14, v10;
	_ =	sdelay $0x1  }
0xcd: {  	(erf) = vpow2.f32 v2;
	v2 =	vmul.f32 $1.442695020e+00, v3  }
0xce: {  	v52 =	vsub.f32 v17, v10  }
0xcf: {  	v0 =	vsub.f32 v0, v10  }
0xd0: {  	v3 =	vmul.f32 $1.442695020e+00, v52;
	v53 =	vpop (erf)  }
0xd1: {  	v0 =	vmul.f32 $1.442695020e+00, v0;
	(erf) = vpow2.f32 v2;
	v2 =	vpop (erf)  }
0xd2: {  	(erf) = vpow2.f32 v3;
	v3 =	vsub.f32 v12, v10;
	v10 =	vadd.f32 v2, v53  }
0xd3: {  	v54 =	vpop (erf)  }
0xd4: {  	(erf) = vpow2.f32 v0;
	v0 =	vmul.f32 $1.442695020e+00, v3;
	v3 =	vadd.f32 v10, v54;
	_ =	sdelay $0x1  }
0xd5: {  	v10 =	vpop (erf)  }
0xd6: {  	(erf) = vpow2.f32 v0;
	v0 =	vadd.f32 v3, v10  }
0xd7: {  	v3 =	vpop (erf)  }
0xd8: {  	v0 =	vadd.f32 v0, v3  }
0xd9: {  	v55 =	vpop (erf)  }
0xda: {  	v0 =	vadd.f32 v0, v55  }
0xdb: {  	v56 =	vpop (erf)  }
0xdc: {  	v0 =	vadd.f32 v0, v56  }
0xdd: {  	v57 =	vpop (erf)  }
0xde: {  	v0 =	vadd.f32 v0, v57  }
0xdf: {  	v58 =	vpop (erf)  }
0xe0: {  	v0 =	vadd.f32 v0, v58;
	_ =	sdelay $0x1  }
0xe1: {  	(erf) = vrcp.f32 v0;
	_ =	sdelay $0x6  }
0xe2: {  	v0 =	vshll.u32 v11, $0x4  }
0xe3: {  	v11 =	vor.u32 $0x1, v0  }
0xe4: {  	v60 =	vor.u32 $0x2, v0;
	v59 =	vpop (erf)  }
0xe5: {  	v61 =	vor.u32 $0x3, v0;
	v13 =	vmul.f32 v59, v53  }
0xe6: {  	v62 =	vor.u32 $0x4, v0;
	v2 =	vmul.f32 v59, v2  }
0xe7: {  	v63 =	vor.u32 $0x5, v0;
	v12 =	vmul.f32 v59, v54;
	[tilespmem:v0+s12+$0x0] =	vst.idx.msk $0xffff, v13  }
0xe8: {  	[tilespmem:v11+s12+$0x0] =	vst.idx.msk $0xffff, v2;
	v2 =	vmul.f32 v59, v10;
	v10 =	vor.u32 $0x6, v0  }
0xe9: {  	s15 =	sadd.s32 $0x1, s15;
	v3 =	vmul.f32 v59, v3;
	v11 =	vor.u32 $0x7, v0;
	[tilespmem:v60+s12+$0x0] =	vst.idx.msk $0xffff, v12  }
0xea: {  	p0 =	sne.s32 s15, $0x10;
	v0 =	vor.u32 $0x8, v0;
	[tilespmem:v61+s12+$0x0] =	vst.idx.msk $0xffff, v2;
	v2 =	vmul.f32 v59, v55  }
.Ltmp1:
0xeb: {  	[tilespmem:v62+s12+$0x0] =	vst.idx.msk $0xffff, v3;
	v3 =	vmul.f32 v59, v56;
	(pc) =	sbr.rel @p0 .LBB2_2-.Ltmp1, $4  }
0xec: {  	[tilespmem:v63+s12+$0x0] =	vst.idx.msk $0xffff, v2;
	v2 =	vmul.f32 v59, v57  }
0xed: {  	[tilespmem:v10+s12+$0x0] =	vst.idx.msk $0xffff, v3;
	v3 =	vmul.f32 v59, v58  }
0xee: {  	[tilespmem:v11+s12+$0x0] =	vst.idx.msk $0xffff, v2  }
0xef: {  	[tilespmem:v0+s12+$0x0] =	vst.idx.msk $0xffff, v3  }
0xf0: {  	_ =	swait.ge [sflag:s13], $0xC800  }
0xf1: {  	[sflag:s13] =	ssyncset.done $0x0  }
0xf2: {  	s15 =	simm.s32 $0x10;
	[sflag:s13] =	ssyncadd.s32 $0xFFFF3800  }
.LBB2_6:
0xf3: {  	s16 =	sshll.u32 s15, $0x4;
	v0 =	vlaneseq.u32  }
0xf4: {  	v11 =	vor.u32 s16, v0  }
0xf5: {  	v13 =	vmul.u32 $0xC8, v11  }
0xf6: {  	s23 =	simm.s32 $0x0  }
0xf7: {  	s24 =	simm.s32 $0x1;
	v0 =	vadd.s32 s23, v13  }
0xf8: {  	s25 =	simm.s32 $0x2;
	v2 =	vadd.s32 s24, v13  }
0xf9: {  	s26 =	simm.s32 $0x3;
	v3 =	vadd.s32 s25, v13  }
0xfa: {  	s28 =	simm.s32 $0x4;
	v10 =	vadd.s32 s26, v13  }
0xfb: {  	s29 =	simm.s32 $0x5;
	v12 =	vadd.s32 s28, v13  }
0xfc: {  	s30 =	simm.s32 $0x6;
	v14 =	vadd.s32 s29, v13;
	v0 =	vld.idx.msk [tilespmem:v0+s2+$0x0], $0xffff  }
0xfd: {  	s31 =	simm.s32 $0x7;
	v16 =	vadd.s32 s30, v13;
	v2 =	vld.idx.msk [tilespmem:v2+s2+$0x0], $0xffff  }
0xfe: {  	v19 =	vadd.s32 s31, v13;
	v3 =	vld.idx.msk [tilespmem:v3+s2+$0x0], $0xffff  }
0xff: {  	v10 =	vld.idx.msk [tilespmem:v10+s2+$0x0], $0xffff  }
0x100: {  	v18 =	vld.idx.msk [tilespmem:v12+s2+$0x0], $0xffff  }
0x101: {  	v24 =	vld.idx.msk [tilespmem:v14+s2+$0x0], $0xffff;
	v15 =	vadd.s32 $0xFA0, v0  }
0x102: {  	v23 =	vld.idx.msk [tilespmem:v16+s2+$0x0], $0xffff;
	v17 =	vadd.s32 $0xFA0, v2  }
0x103: {  	v22 =	vld.idx.msk [tilespmem:v19+s2+$0x0], $0xffff;
	v20 =	vadd.s32 $0xFA0, v3  }
0x104: {  	v14 =	vadd.s32 $0x3E8, v0;
	v21 =	vadd.s32 $0xFA0, v10;
	v12 =	vld.idx.msk [tilespmem:v0+s9+$0x0], $0xffff  }
0x105: {  	v26 =	vadd.s32 $0x3E8, v2;
	v28 =	vadd.s32 $0x7D0, v2;
	v30 =	vadd.s32 $0xBB8, v2;
	v2 =	vld.idx.msk [tilespmem:v2+s9+$0x0], $0xffff  }
0x106: {  	v16 =	vadd.s32 $0x7D0, v0;
	v15 =	vld.idx.msk [tilespmem:v15+s9+$0x0], $0xffff  }
0x107: {  	v25 =	vadd.s32 $0xFA0, v18;
	v17 =	vld.idx.msk [tilespmem:v17+s9+$0x0], $0xffff  }
0x108: {  	v19 =	vld.idx.msk [tilespmem:v20+s9+$0x0], $0xffff  }
0x109: {  	v14 =	vld.idx.msk [tilespmem:v14+s9+$0x0], $0xffff  }
0x10a: {  	v31 =	vadd.s32 $0x3E8, v3;
	v21 =	vld.idx.msk [tilespmem:v21+s9+$0x0], $0xffff  }
0x10b: {  	v33 =	vadd.s32 $0xBB8, v10;
	v16 =	vld.idx.msk [tilespmem:v16+s9+$0x0], $0xffff  }
0x10c: {  	v0 =	vadd.s32 $0xBB8, v0;
	v25 =	vld.idx.msk [tilespmem:v25+s9+$0x0], $0xffff  }
0x10d: {  	v20 =	vadd.s32 $0xFA0, v24;
	v26 =	vld.idx.msk [tilespmem:v26+s9+$0x0], $0xffff;
	v15 =	vadd.bf16 v1, v15  }
0x10e: {  	v27 =	vadd.s32 $0xFA0, v23;
	v32 =	vld.idx.msk [tilespmem:v28+s9+$0x0], $0xffff  }
0x10f: {  	v29 =	vadd.s32 $0xFA0, v22;
	v31 =	vld.idx.msk [tilespmem:v31+s9+$0x0], $0xffff;
	v15 =	vadd.bf16 v17, v15  }
0x110: {  	v37 =	vld.idx.msk [tilespmem:v33+s9+$0x0], $0xffff  }
0x111: {  	v0 =	vld.idx.msk [tilespmem:v0+s9+$0x0], $0xffff;
	v15 =	vadd.bf16 v19, v15  }
0x112: {  	v20 =	vld.idx.msk [tilespmem:v20+s9+$0x0], $0xffff  }
0x113: {  	v14 =	vadd.bf16 v1, v14;
	v17 =	vld.idx.msk [tilespmem:v27+s9+$0x0], $0xffff;
	v15 =	vadd.bf16 v21, v15  }
0x114: {  	v27 =	vadd.s32 $0x7D0, v3;
	v19 =	vld.idx.msk [tilespmem:v29+s9+$0x0], $0xffff  }
0x115: {  	v14 =	vadd.bf16 v26, v14;
	v29 =	vld.idx.msk [tilespmem:v30+s9+$0x0], $0xffff;
	v30 =	vadd.s32 $0x3E8, v10;
	v15 =	vadd.bf16 v25, v15  }
0x116: {  	v28 =	vadd.s32 $0xBB8, v3;
	v3 =	vld.idx.msk [tilespmem:v3+s9+$0x0], $0xffff  }
0x117: {  	v14 =	vadd.bf16 v31, v14;
	v31 =	vld.idx.msk [tilespmem:v18+s9+$0x0], $0xffff;
	v21 =	vadd.s32 $0x7D0, v10;
	v15 =	vadd.bf16 v20, v15  }
0x118: {  	v10 =	vld.idx.msk [tilespmem:v10+s9+$0x0], $0xffff  }
0x119: {  	v34 =	vadd.s32 $0x3E8, v18;
	v25 =	vld.idx.msk [tilespmem:v27+s9+$0x0], $0xffff;
	v15 =	vadd.bf16 v17, v15  }
0x11a: {  	v35 =	vld.idx.msk [tilespmem:v30+s9+$0x0], $0xffff;
	v30 =	vadd.s32 $0xBB8, v18  }
0x11b: {  	v36 =	vadd.s32 $0x3E8, v24;
	v12 =	vadd.bf16 v1, v12;
	v27 =	vld.idx.msk [tilespmem:v28+s9+$0x0], $0xffff;
	v15 =	vadd.bf16 v19, v15  }
0x11c: {  	v41 =	vadd.s32 $0xBB8, v24;
	v20 =	vadd.s32 $0x7D0, v18;
	v17 =	vld.idx.msk [tilespmem:v21+s9+$0x0], $0xffff  }
0x11d: {  	v2 =	vadd.bf16 v2, v12;
	v0 =	vadd.bf16 v1, v0;
	v12 =	vshll.u32 v15, $0x10;
	v15 =	vld [tilespmem:$0x1FFF0]  }
0x11e: {  	v16 =	vadd.bf16 v1, v16;
	v19 =	vld.idx.msk [tilespmem:v34+s9+$0x0], $0xffff  }
0x11f: {  	v2 =	vadd.bf16 v3, v2;
	v0 =	vadd.bf16 v29, v0;
	v21 =	vadd.s32 $0x7D0, v24;
	v33 =	vld.idx.msk [tilespmem:v30+s9+$0x0], $0xffff  }
0x120: {  	v16 =	vadd.bf16 v32, v16;
	v26 =	vadd.s32 $0x7D0, v22;
	v34 =	vld.idx.msk [tilespmem:v36+s9+$0x0], $0xffff  }
0x121: {  	v28 =	vadd.s32 $0x3E8, v23;
	v39 =	vadd.bf16 v10, v2;
	v0 =	vadd.bf16 v27, v0;
	v32 =	vld.idx.msk [tilespmem:v20+s9+$0x0], $0xffff  }
0x122: {  	v29 =	vadd.s32 $0x7D0, v23;
	v36 =	vld.idx.msk [tilespmem:v41+s9+$0x0], $0xffff;
	v12 =	vadd.f32 v12, v15;
	v15 =	vadd.bf16 v25, v16  }
0x123: {  	v18 =	vmovc v7;
	v27 =	vadd.s32 $0x3E8, v22;
	v30 =	vadd.s32 $0xBB8, v23;
	v3 =	vadd.bf16 v35, v14;
	v14 =	vld [tilespmem:$0x1FFE0]  }
0x124: {  	v37 =	vadd.bf16 v37, v0;
	v20 =	vmovc v5;
	v35 =	vld.idx.msk [tilespmem:v21+s9+$0x0], $0xffff;
	v21 =	vmov v4;
	v38 =	vadd.bf16 v17, v15  }
0x125: {  	s18 =	simm.s32 $0x8;
	s17 =	simm.s32 $0x17;
	s16 =	simm.s32 $0xF;
	v40 =	vadd.bf16 v19, v3;
	v19 =	vmovc v6;
	v25 =	vadd.s32 $0xBB8, v22;
	v16 =	vmovc v9;
	v17 =	vmov v8;
	v15 =	vld [tilespmem:$0x1FFD0]  }
.LBB2_7:
0x126: {  	p0 =	sne.s32 s17, $0xC7;
	v0 =	vadd.s32 s18, v13;
	v2 =	vadd.bf16 v32, v38;
	v3 =	vld.idx.msk [tilespmem:v24+s9+$0x0], $0xffff  }
0x127: {  	s18 =	sadd.s32 $0xFFFFFFFA, s16;
	v10 =	vadd.bf16 v33, v37;
	v24 =	vld.idx.msk [tilespmem:v28+s9+$0x0], $0xffff  }
0x128: {  	v28 =	vadd.s32 s18, v13;
	v31 =	vadd.bf16 v31, v39;
	v29 =	vld.idx.msk [tilespmem:v29+s9+$0x0], $0xffff  }
0x129: {  	s18 =	sadd.s32 $0xFFFFFFFB, s16;
	v32 =	vadd.bf16 v34, v40;
	v30 =	vld.idx.msk [tilespmem:v30+s9+$0x0], $0xffff  }
0x12a: {  	v33 =	vadd.s32 s18, v13;
	v2 =	vadd.bf16 v35, v2;
	v23 =	vld.idx.msk [tilespmem:v23+s9+$0x0], $0xffff  }
0x12b: {  	s18 =	sadd.s32 $0xFFFFFFFC, s16;
	v10 =	vadd.bf16 v36, v10;
	v0 =	vld.idx.msk [tilespmem:v0+s2+$0x0], $0xffff  }
0x12c: {  	v34 =	vadd.s32 s18, v13;
	v3 =	vadd.bf16 v3, v31;
	v27 =	vld.idx.msk [tilespmem:v27+s9+$0x0], $0xffff  }
0x12d: {  	s18 =	sadd.s32 $0xFFFFFFFD, s16;
	v24 =	vadd.bf16 v24, v32;
	v35 =	vld.idx.msk [tilespmem:v28+s2+$0x0], $0xffff  }
0x12e: {  	v28 =	vadd.s32 s18, v13;
	v2 =	vadd.bf16 v29, v2;
	v26 =	vld.idx.msk [tilespmem:v26+s9+$0x0], $0xffff  }
0x12f: {  	s18 =	sadd.s32 $0xFFFFFFFE, s16;
	v10 =	vadd.bf16 v30, v10;
	v33 =	vld.idx.msk [tilespmem:v33+s2+$0x0], $0xffff  }
0x130: {  	v29 =	vadd.s32 s18, v13;
	v3 =	vadd.bf16 v23, v3;
	v23 =	vld.idx.msk [tilespmem:v25+s9+$0x0], $0xffff  }
0x131: {  	s18 =	sadd.s32 $0xFFFFFFFF, s16;
	v25 =	vadd.s32 $0x3E8, v0;
	v30 =	vadd.s32 $0x7D0, v0;
	v36 =	vadd.s32 $0xFA0, v0;
	v32 =	vld.idx.msk [tilespmem:v34+s2+$0x0], $0xffff  }
0x132: {  	v37 =	vadd.s32 s18, v13;
	v34 =	vadd.s32 $0xBB8, v0;
	v27 =	vadd.bf16 v27, v24;
	v22 =	vld.idx.msk [tilespmem:v22+s9+$0x0], $0xffff  }
0x133: {  	v38 =	vadd.s32 $0x3E8, v35;
	v39 =	vadd.s32 $0x7D0, v35;
	v40 =	vadd.s32 $0xFA0, v35;
	v31 =	vld.idx.msk [tilespmem:v28+s2+$0x0], $0xffff  }
0x134: {  	v41 =	vadd.s32 $0xBB8, v35;
	v28 =	vadd.s32 s16, v13;
	v2 =	vadd.bf16 v26, v2;
	s16 =	smov.u32 s17;
	v0 =	vld.idx.msk [tilespmem:v0+s9+$0x0], $0xffff  }
0x135: {  	v42 =	vadd.s32 $0x3E8, v33;
	v43 =	vadd.s32 $0x7D0, v33;
	v26 =	vadd.s32 $0xFA0, v33;
	v24 =	vld.idx.msk [tilespmem:v29+s2+$0x0], $0xffff  }
0x136: {  	v44 =	vshll.u32 v27, $0x10;
	v10 =	vadd.bf16 v23, v10;
	v29 =	vld.idx.msk [tilespmem:v36+s9+$0x0], $0xffff;
	v36 =	vadd.s32 $0xBB8, v33  }
0x137: {  	v45 =	vadd.s32 $0x3E8, v32;
	v46 =	vadd.s32 $0x7D0, v32;
	v47 =	vadd.s32 $0xFA0, v32;
	v23 =	vld.idx.msk [tilespmem:v37+s2+$0x0], $0xffff  }
0x138: {  	v48 =	vand.u32 $0xFFFF0000, v27;
	v3 =	vadd.bf16 v22, v3;
	v37 =	vld.idx.msk [tilespmem:v40+s9+$0x0], $0xffff;
	v40 =	vadd.s32 $0xBB8, v32  }
0x139: {  	v49 =	vadd.s32 $0x3E8, v31;
	v50 =	vadd.s32 $0x7D0, v31;
	v27 =	vadd.s32 $0xFA0, v31;
	v22 =	vld.idx.msk [tilespmem:v28+s2+$0x0], $0xffff  }
0x13a: {  	v53 =	vshll.u32 v2, $0x10;
	v52 =	vadd.s32 $0xBB8, v31;
	v0 =	vadd.bf16 v1, v0;
	v51 =	vld.idx.msk [tilespmem:v26+s9+$0x0], $0xffff  }
0x13b: {  	v55 =	vadd.s32 $0x3E8, v24;
	v56 =	vadd.s32 $0x7D0, v24;
	v54 =	vld.idx.msk [tilespmem:v25+s9+$0x0], $0xffff;
	v25 =	vadd.s32 $0xFA0, v24  }
0x13c: {  	v2 =	vand.u32 $0xFFFF0000, v2;
	v57 =	vadd.s32 $0xBB8, v24;
	v26 =	vadd.bf16 v1, v29;
	v47 =	vld.idx.msk [tilespmem:v47+s9+$0x0], $0xffff  }
0x13d: {  	v28 =	vadd.s32 $0x3E8, v23;
	v29 =	vadd.s32 $0x7D0, v23;
	v59 =	vadd.s32 $0xFA0, v23;
	v58 =	vld.idx.msk [tilespmem:v30+s9+$0x0], $0xffff  }
0x13e: {  	v61 =	vshll.u32 v10, $0x10;
	v37 =	vadd.bf16 v37, v26;
	v30 =	vadd.s32 $0xBB8, v23;
	v60 =	vld.idx.msk [tilespmem:v27+s9+$0x0], $0xffff  }
0x13f: {  	v27 =	vadd.s32 $0x3E8, v22;
	v26 =	vadd.s32 $0x7D0, v22;
	v62 =	vadd.s32 $0xFA0, v22;
	v34 =	vld.idx.msk [tilespmem:v34+s9+$0x0], $0xffff  }
0x140: {  	v10 =	vand.u32 $0xFFFF0000, v10;
	v37 =	vadd.bf16 v51, v37;
	v51 =	vld.idx.msk [tilespmem:v25+s9+$0x0], $0xffff;
	v25 =	vadd.s32 $0xBB8, v22  }
0x141: {  	v63 =	vshll.u32 v3, $0x10;
	v3 =	vand.u32 $0xFFFF0000, v3;
	v54 =	vadd.bf16 v1, v54;
	v38 =	vld.idx.msk [tilespmem:v38+s9+$0x0], $0xffff  }
0x142: {  	v21 =	vadd.f32 v44, v21;
	v37 =	vadd.bf16 v47, v37;
	v47 =	vld.idx.msk [tilespmem:v59+s9+$0x0], $0xffff  }
0x143: {  	v20 =	vadd.f32 v48, v20;
	v44 =	vadd.bf16 v1, v58;
	v39 =	vld.idx.msk [tilespmem:v39+s9+$0x0], $0xffff  }
0x144: {  	v19 =	vadd.f32 v53, v19;
	v37 =	vadd.bf16 v60, v37;
	v48 =	vld.idx.msk [tilespmem:v62+s9+$0x0], $0xffff  }
0x145: {  	v18 =	vadd.f32 v2, v18;
	v34 =	vadd.bf16 v1, v34;
	v41 =	vld.idx.msk [tilespmem:v41+s9+$0x0], $0xffff  }
0x146: {  	v17 =	vadd.f32 v61, v17;
	v2 =	vld.idx.msk [tilespmem:v35+s9+$0x0], $0xffff;
	v35 =	vadd.bf16 v51, v37  }
0x147: {  	v16 =	vadd.f32 v10, v16;
	v37 =	vadd.bf16 v38, v54;
	v38 =	vld.idx.msk [tilespmem:v42+s9+$0x0], $0xffff  }
0x148: {  	v15 =	vadd.f32 v63, v15;
	v10 =	vld.idx.msk [tilespmem:v43+s9+$0x0], $0xffff;
	v35 =	vadd.bf16 v47, v35  }
0x149: {  	v14 =	vadd.f32 v3, v14;
	v39 =	vadd.bf16 v39, v44;
	v36 =	vld.idx.msk [tilespmem:v36+s9+$0x0], $0xffff  }
0x14a: {  	v3 =	vld.idx.msk [tilespmem:v33+s9+$0x0], $0xffff;
	v33 =	vadd.bf16 v48, v35  }
0x14b: {  	v34 =	vadd.bf16 v41, v34;
	v35 =	vld.idx.msk [tilespmem:v45+s9+$0x0], $0xffff  }
0x14c: {  	v0 =	vadd.bf16 v2, v0;
	v2 =	vld.idx.msk [tilespmem:v46+s9+$0x0], $0xffff;
	v33 =	vshll.u32 v33, $0x10  }
0x14d: {  	v37 =	vadd.bf16 v38, v37;
	v40 =	vld.idx.msk [tilespmem:v40+s9+$0x0], $0xffff;
	v12 =	vadd.f32 v33, v12  }
0x14e: {  	v10 =	vadd.bf16 v10, v39;
	v39 =	vld.idx.msk [tilespmem:v32+s9+$0x0], $0xffff  }
0x14f: {  	v34 =	vadd.bf16 v36, v34;
	v36 =	vld.idx.msk [tilespmem:v49+s9+$0x0], $0xffff  }
0x150: {  	v0 =	vadd.bf16 v3, v0;
	v32 =	vld.idx.msk [tilespmem:v50+s9+$0x0], $0xffff  }
.Ltmp2:
0x151: {  	v3 =	vadd.bf16 v35, v37;
	v33 =	vld.idx.msk [tilespmem:v52+s9+$0x0], $0xffff;
	(pc) =	sbr.rel @p0 .LBB2_7-.Ltmp2, $4  }
0x152: {  	v38 =	vadd.bf16 v2, v10;
	v31 =	vld.idx.msk [tilespmem:v31+s9+$0x0], $0xffff  }
0x153: {  	v37 =	vadd.bf16 v40, v34;
	v34 =	vld.idx.msk [tilespmem:v55+s9+$0x0], $0xffff  }
0x154: {  	v39 =	vadd.bf16 v39, v0;
	v35 =	vld.idx.msk [tilespmem:v56+s9+$0x0], $0xffff  }
0x155: {  	s17 =	sadd.s32 $0x8, s17;
	s18 =	sadd.s32 $0xFFFFFFF9, s16;
	v40 =	vadd.bf16 v36, v3;
	v36 =	vld.idx.msk [tilespmem:v57+s9+$0x0], $0xffff  }
0x156: {  	_ =	sdelay $0x3  }
0x157: {  	v2 =	vld.idx.msk [tilespmem:v24+s9+$0x0], $0xffff  }
0x158: {  	v3 =	vld.idx.msk [tilespmem:v28+s9+$0x0], $0xffff  }
0x159: {  	v24 =	vld.idx.msk [tilespmem:v29+s9+$0x0], $0xffff  }
0x15a: {  	v28 =	vld.idx.msk [tilespmem:v30+s9+$0x0], $0xffff  }
0x15b: {  	v0 =	vadd.s32 s18, v13;
	s17 =	sadd.s32 $0xFFFFFFFA, s16;
	v23 =	vld.idx.msk [tilespmem:v23+s9+$0x0], $0xffff  }
0x15c: {  	v27 =	vld.idx.msk [tilespmem:v27+s9+$0x0], $0xffff;
	v10 =	vadd.s32 s17, v13  }
0x15d: {  	s26 =	sadd.s32 $0xFFFFFFFB, s16;
	v26 =	vld.idx.msk [tilespmem:v26+s9+$0x0], $0xffff;
	v62 =	vadd.s32 s16, v13  }
0x15e: {  	s28 =	sadd.s32 $0xFFFFFFFC, s16;
	v25 =	vld.idx.msk [tilespmem:v25+s9+$0x0], $0xffff;
	v60 =	vadd.s32 s26, v13  }
0x15f: {  	s29 =	sadd.s32 $0xFFFFFFFD, s16;
	v22 =	vld.idx.msk [tilespmem:v22+s9+$0x0], $0xffff;
	v61 =	vadd.s32 s28, v13  }
0x160: {  	s30 =	sadd.s32 $0xFFFFFFFE, s16;
	v41 =	vadd.s32 s29, v13;
	v0 =	vld.idx.msk [tilespmem:v0+s2+$0x0], $0xffff  }
0x161: {  	s31 =	sadd.s32 $0xFFFFFFFF, s16;
	v42 =	vadd.s32 s30, v13;
	v10 =	vld.idx.msk [tilespmem:v10+s2+$0x0], $0xffff  }
0x162: {  	v44 =	vadd.s32 s31, v13;
	v13 =	vld.idx.msk [tilespmem:v62+s2+$0x0], $0xffff  }
0x163: {  	v29 =	vld.idx.msk [tilespmem:v60+s2+$0x0], $0xffff  }
0x164: {  	v30 =	vld.idx.msk [tilespmem:v61+s2+$0x0], $0xffff  }
0x165: {  	v41 =	vld.idx.msk [tilespmem:v41+s2+$0x0], $0xffff;
	v43 =	vadd.s32 $0xFA0, v0  }
0x166: {  	v42 =	vld.idx.msk [tilespmem:v42+s2+$0x0], $0xffff;
	v48 =	vadd.s32 $0x3E8, v0  }
0x167: {  	v44 =	vld.idx.msk [tilespmem:v44+s2+$0x0], $0xffff;
	v50 =	vadd.s32 $0x7D0, v0  }
0x168: {  	v56 =	vadd.s32 $0xFA0, v13;
	v45 =	vadd.s32 $0xFA0, v10;
	v46 =	vld.idx.msk [tilespmem:v0+s9+$0x0], $0xffff  }
0x169: {  	v53 =	vadd.s32 $0x3E8, v10;
	v55 =	vadd.s32 $0x7D0, v10;
	v57 =	vadd.s32 $0xBB8, v10;
	v10 =	vld.idx.msk [tilespmem:v10+s9+$0x0], $0xffff  }
0x16a: {  	v47 =	vadd.s32 $0xFA0, v29;
	v43 =	vld.idx.msk [tilespmem:v43+s9+$0x0], $0xffff  }
0x16b: {  	v33 =	vadd.bf16 v33, v37;
	v49 =	vadd.s32 $0xFA0, v30;
	v48 =	vld.idx.msk [tilespmem:v48+s9+$0x0], $0xffff  }
0x16c: {  	v51 =	vadd.s32 $0xFA0, v41;
	v50 =	vld.idx.msk [tilespmem:v50+s9+$0x0], $0xffff  }
0x16d: {  	v33 =	vadd.bf16 v36, v33;
	v52 =	vadd.s32 $0xFA0, v42;
	v36 =	vld.idx.msk [tilespmem:v56+s9+$0x0], $0xffff  }
0x16e: {  	v45 =	vld.idx.msk [tilespmem:v45+s9+$0x0], $0xffff  }
0x16f: {  	v54 =	vadd.s32 $0xFA0, v44;
	v47 =	vld.idx.msk [tilespmem:v47+s9+$0x0], $0xffff  }
0x170: {  	v49 =	vld.idx.msk [tilespmem:v49+s9+$0x0], $0xffff  }
0x171: {  	v32 =	vadd.bf16 v32, v38;
	v51 =	vld.idx.msk [tilespmem:v51+s9+$0x0], $0xffff  }
0x172: {  	v31 =	vadd.bf16 v31, v39;
	v63 =	vadd.s32 $0x3E8, v29;
	v52 =	vld.idx.msk [tilespmem:v52+s9+$0x0], $0xffff  }
0x173: {  	v34 =	vadd.bf16 v34, v40;
	v32 =	vadd.bf16 v35, v32;
	v38 =	vld.idx.msk [tilespmem:v53+s9+$0x0], $0xffff  }
0x174: {  	v2 =	vadd.bf16 v2, v31;
	v59 =	vadd.s32 $0xBB8, v30;
	v39 =	vld.idx.msk [tilespmem:v54+s9+$0x0], $0xffff  }
0x175: {  	v3 =	vadd.bf16 v3, v34;
	v24 =	vadd.bf16 v24, v32;
	v40 =	vld.idx.msk [tilespmem:v55+s9+$0x0], $0xffff  }
0x176: {  	v28 =	vadd.bf16 v28, v33;
	v2 =	vadd.bf16 v23, v2;
	v37 =	vadd.s32 $0x7D0, v41;
	v32 =	vld.idx.msk [tilespmem:v57+s9+$0x0], $0xffff  }
0x177: {  	v3 =	vadd.bf16 v27, v3;
	v24 =	vadd.bf16 v26, v24;
	v0 =	vadd.s32 $0xBB8, v0;
	v34 =	vld.idx.msk [tilespmem:v63+s9+$0x0], $0xffff  }
0x178: {  	v56 =	vadd.s32 $0x7D0, v30;
	v53 =	vadd.s32 $0x7D0, v29;
	v54 =	vadd.s32 $0xBB8, v29;
	v29 =	vld.idx.msk [tilespmem:v29+s9+$0x0], $0xffff  }
0x179: {  	v25 =	vadd.bf16 v25, v28;
	v60 =	vshll.u32 v3, $0x10;
	v2 =	vadd.bf16 v22, v2;
	v26 =	vld.idx.msk [tilespmem:v59+s9+$0x0], $0xffff  }
0x17a: {  	v3 =	vand.u32 $0xFFFF0000, v3;
	v21 =	vadd.f32 v60, v21;
	v55 =	vadd.s32 $0x3E8, v30;
	v30 =	vld.idx.msk [tilespmem:v30+s9+$0x0], $0xffff  }
0x17b: {  	v3 =	vadd.f32 v3, v20;
	v62 =	vadd.s32 $0x3E8, v41;
	v60 =	vadd.s32 $0x3E8, v44;
	v37 =	vld.idx.msk [tilespmem:v37+s9+$0x0], $0xffff  }
0x17c: {  	v63 =	vshll.u32 v24, $0x10;
	v24 =	vand.u32 $0xFFFF0000, v24;
	v0 =	vld.idx.msk [tilespmem:v0+s9+$0x0], $0xffff;
	v58 =	vadd.bf16 v1, v43  }
0x17d: {  	v19 =	vadd.f32 v63, v19;
	v63 =	vshll.u32 v25, $0x10;
	v18 =	vadd.f32 v24, v18;
	v27 =	vld.idx.msk [tilespmem:v56+s9+$0x0], $0xffff  }
0x17e: {  	v25 =	vand.u32 $0xFFFF0000, v25;
	v17 =	vadd.f32 v63, v17;
	v56 =	vld.idx.msk [tilespmem:v42+s9+$0x0], $0xffff;
	v61 =	vadd.bf16 v45, v58  }
0x17f: {  	v57 =	vadd.s32 $0x7D0, v42;
	v16 =	vadd.f32 v25, v16;
	v43 =	vadd.bf16 v1, v46;
	v28 =	vld.idx.msk [tilespmem:v53+s9+$0x0], $0xffff  }
0x180: {  	v48 =	vadd.bf16 v1, v48;
	v31 =	vld.idx.msk [tilespmem:v54+s9+$0x0], $0xffff;
	v45 =	vadd.s32 $0xBB8, v41;
	v22 =	vadd.bf16 v47, v61  }
0x181: {  	v59 =	vadd.bf16 v1, v50;
	v50 =	vshll.u32 v2, $0x10;
	v23 =	vld.idx.msk [tilespmem:v55+s9+$0x0], $0xffff;
	v58 =	vadd.s32 $0xBB8, v42  }
0x182: {  	v15 =	vadd.f32 v50, v15;
	v41 =	vld.idx.msk [tilespmem:v41+s9+$0x0], $0xffff;
	v47 =	vadd.s32 $0x3E8, v42;
	v22 =	vadd.bf16 v49, v22  }
0x183: {  	v2 =	vand.u32 $0xFFFF0000, v2;
	v10 =	vadd.bf16 v10, v43;
	v35 =	vadd.bf16 v40, v59;
	v59 =	vld.idx.msk [tilespmem:v60+s9+$0x0], $0xffff  }
0x184: {  	v0 =	vadd.bf16 v1, v0;
	v61 =	vadd.bf16 v51, v22;
	v22 =	vld.idx.msk [tilespmem:v62+s9+$0x0], $0xffff;
	v62 =	vadd.s32 $0x7D0, v44  }
0x185: {  	v2 =	vadd.f32 v2, v14;
	v10 =	vadd.bf16 v29, v10;
	v24 =	vld.idx.msk [tilespmem:v45+s9+$0x0], $0xffff  }
0x186: {  	v53 =	vadd.s32 $0xBB8, v44;
	v38 =	vadd.bf16 v38, v48;
	v0 =	vadd.bf16 v32, v0;
	v55 =	vld.idx.msk [tilespmem:v58+s9+$0x0], $0xffff  }
0x187: {  	v28 =	vadd.bf16 v28, v35;
	v10 =	vadd.bf16 v30, v10;
	v51 =	vld.idx.msk [tilespmem:v47+s9+$0x0], $0xffff  }
0x188: {  	v58 =	vadd.bf16 v34, v38;
	v20 =	vadd.bf16 v52, v61;
	v52 =	vld.idx.msk [tilespmem:v57+s9+$0x0], $0xffff;
	v57 =	vadd.s32 $0x3E8, v13  }
0x189: {  	v60 =	vadd.s32 $0x7D0, v13;
	v0 =	vadd.bf16 v31, v0;
	v27 =	vadd.bf16 v27, v28;
	v61 =	vld.idx.msk [tilespmem:v62+s9+$0x0], $0xffff  }
0x18a: {  	v10 =	vadd.bf16 v41, v10;
	v23 =	vadd.bf16 v23, v58;
	v62 =	vld.idx.msk [tilespmem:v44+s9+$0x0], $0xffff  }
0x18b: {  	v63 =	vadd.s32 $0xBB8, v13;
	v35 =	vld.idx.msk [tilespmem:v53+s9+$0x0], $0xffff;
	v0 =	vadd.bf16 v26, v0;
	v37 =	vadd.bf16 v37, v27  }
0x18c: {  	v13 =	vld.idx.msk [tilespmem:v13+s9+$0x0], $0xffff;
	v20 =	vadd.bf16 v39, v20;
	v22 =	vadd.bf16 v22, v23  }
0x18d: {  	v10 =	vadd.bf16 v56, v10;
	v0 =	vadd.bf16 v24, v0;
	v40 =	vld.idx.msk [tilespmem:v57+s9+$0x0], $0xffff  }
0x18e: {  	v41 =	vld.idx.msk [tilespmem:v60+s9+$0x0], $0xffff;
	v20 =	vadd.bf16 v36, v20;
	v22 =	vadd.bf16 v51, v22  }
0x18f: {  	v23 =	vadd.bf16 v52, v37;
	v10 =	vadd.bf16 v62, v10  }
0x190: {  	v43 =	vld.idx.msk [tilespmem:v63+s9+$0x0], $0xffff;
	v0 =	vadd.bf16 v55, v0;
	v42 =	vadd.bf16 v59, v22  }
0x191: {  	v23 =	vadd.bf16 v61, v23;
	v10 =	vadd.bf16 v13, v10  }
0x192: {  	v0 =	vadd.bf16 v35, v0;
	v44 =	vadd.bf16 v40, v42  }
0x193: {  	v45 =	vadd.bf16 v41, v23;
	v46 =	vshll.u32 v10, $0x10;
	v10 =	vand.u32 $0xFFFF0000, v10  }
0x194: {  	v47 =	vshll.u32 v44, $0x10;
	v15 =	vadd.f32 v46, v15;
	v2 =	vadd.f32 v10, v2  }
0x195: {  	v0 =	vadd.bf16 v43, v0;
	v10 =	vand.u32 $0xFFFF0000, v44;
	v48 =	vadd.f32 v47, v21  }
0x196: {  	v49 =	vshll.u32 v45, $0x10;
	v3 =	vadd.f32 v10, v3;
	v10 =	vmax.f32 v15, v2  }
0x197: {  	v14 =	vand.u32 $0xFFFF0000, v45;
	v19 =	vadd.f32 v49, v19;
	v10 =	vmax.f32 v10, v48  }
0x198: {  	v50 =	vshll.u32 v0, $0x10;
	v14 =	vadd.f32 v14, v18;
	v10 =	vmax.f32 v10, v3  }
0x199: {  	v0 =	vand.u32 $0xFFFF0000, v0;
	v17 =	vadd.f32 v50, v17;
	v10 =	vmax.f32 v10, v19  }
0x19a: {  	v51 =	vshll.u32 v20, $0x10;
	v0 =	vadd.f32 v0, v16;
	v10 =	vmax.f32 v10, v14  }
0x19b: {  	v12 =	vadd.f32 v51, v12;
	v10 =	vmax.f32 v10, v17  }
0x19c: {  	v10 =	vmax.f32 v10, v0  }
0x19d: {  	v10 =	vmax.f32 v10, v12  }
0x19e: {  	v15 =	vsub.f32 v15, v10  }
0x19f: {  	v2 =	vsub.f32 v2, v10  }
0x1a0: {  	v15 =	vmul.f32 $1.442695020e+00, v15  }
0x1a1: {  	v13 =	vsub.f32 v48, v10;
	v2 =	vmul.f32 $1.442695020e+00, v2  }
0x1a2: {  	(erf) = vpow2.f32 v15  }
0x1a3: {  	v3 =	vsub.f32 v3, v10;
	(erf) = vpow2.f32 v2;
	v2 =	vmul.f32 $1.442695020e+00, v13;
	_ =	sdelay $0x1  }
0x1a4: {  	(erf) = vpow2.f32 v2;
	v2 =	vmul.f32 $1.442695020e+00, v3;
	v3 =	vsub.f32 v19, v10;
	_ =	sdelay $0x1  }
0x1a5: {  	(erf) = vpow2.f32 v2;
	v2 =	vmul.f32 $1.442695020e+00, v3;
	v3 =	vsub.f32 v14, v10;
	_ =	sdelay $0x1  }
0x1a6: {  	(erf) = vpow2.f32 v2;
	v2 =	vmul.f32 $1.442695020e+00, v3  }
0x1a7: {  	v52 =	vsub.f32 v17, v10  }
0x1a8: {  	v0 =	vsub.f32 v0, v10  }
0x1a9: {  	v3 =	vmul.f32 $1.442695020e+00, v52;
	v53 =	vpop (erf)  }
0x1aa: {  	v0 =	vmul.f32 $1.442695020e+00, v0;
	(erf) = vpow2.f32 v2;
	v2 =	vpop (erf)  }
0x1ab: {  	(erf) = vpow2.f32 v3;
	v3 =	vsub.f32 v12, v10;
	v10 =	vadd.f32 v2, v53  }
0x1ac: {  	v54 =	vpop (erf)  }
0x1ad: {  	(erf) = vpow2.f32 v0;
	v0 =	vmul.f32 $1.442695020e+00, v3;
	v3 =	vadd.f32 v10, v54;
	_ =	sdelay $0x1  }
0x1ae: {  	v10 =	vpop (erf)  }
0x1af: {  	(erf) = vpow2.f32 v0;
	v0 =	vadd.f32 v3, v10  }
0x1b0: {  	v3 =	vpop (erf)  }
0x1b1: {  	v0 =	vadd.f32 v0, v3  }
0x1b2: {  	v55 =	vpop (erf)  }
0x1b3: {  	v0 =	vadd.f32 v0, v55  }
0x1b4: {  	v56 =	vpop (erf)  }
0x1b5: {  	v0 =	vadd.f32 v0, v56  }
0x1b6: {  	v57 =	vpop (erf)  }
0x1b7: {  	v0 =	vadd.f32 v0, v57  }
0x1b8: {  	v58 =	vpop (erf)  }
0x1b9: {  	v0 =	vadd.f32 v0, v58;
	_ =	sdelay $0x1  }
0x1ba: {  	(erf) = vrcp.f32 v0;
	_ =	sdelay $0x6  }
0x1bb: {  	v0 =	vshll.u32 v11, $0x4  }
0x1bc: {  	v11 =	vor.u32 $0x1, v0  }
0x1bd: {  	v60 =	vor.u32 $0x2, v0;
	v59 =	vpop (erf)  }
0x1be: {  	v61 =	vor.u32 $0x3, v0;
	v13 =	vmul.f32 v59, v53  }
0x1bf: {  	v62 =	vor.u32 $0x4, v0;
	v2 =	vmul.f32 v59, v2  }
0x1c0: {  	v63 =	vor.u32 $0x5, v0;
	v12 =	vmul.f32 v59, v54;
	[tilespmem:v0+s12+$0x0] =	vst.idx.msk $0xffff, v13  }
0x1c1: {  	[tilespmem:v11+s12+$0x0] =	vst.idx.msk $0xffff, v2;
	v2 =	vmul.f32 v59, v10;
	v10 =	vor.u32 $0x6, v0  }
0x1c2: {  	s15 =	sadd.s32 $0x1, s15;
	v3 =	vmul.f32 v59, v3;
	v11 =	vor.u32 $0x7, v0;
	[tilespmem:v60+s12+$0x0] =	vst.idx.msk $0xffff, v12  }
0x1c3: {  	p0 =	sne.s32 s15, $0x20;
	v0 =	vor.u32 $0x8, v0;
	[tilespmem:v61+s12+$0x0] =	vst.idx.msk $0xffff, v2;
	v2 =	vmul.f32 v59, v55  }
.Ltmp3:
0x1c4: {  	[tilespmem:v62+s12+$0x0] =	vst.idx.msk $0xffff, v3;
	v3 =	vmul.f32 v59, v56;
	(pc) =	sbr.rel @p0 .LBB2_6-.Ltmp3, $4  }
0x1c5: {  	[tilespmem:v63+s12+$0x0] =	vst.idx.msk $0xffff, v2;
	v2 =	vmul.f32 v59, v57  }
0x1c6: {  	[tilespmem:v10+s12+$0x0] =	vst.idx.msk $0xffff, v3;
	v3 =	vmul.f32 v59, v58  }
0x1c7: {  	[tilespmem:v11+s12+$0x0] =	vst.idx.msk $0xffff, v2  }
0x1c8: {  	[tilespmem:v0+s12+$0x0] =	vst.idx.msk $0xffff, v3  }
0x1c9: {  	s14 =	sadd.s32 $0x1, s14  }
0x1ca: {  	p0 =	sne.s32 s14, s7  }
.Ltmp4:
0x1cb: {  	_ = 	snop;
	(pc) =	sbr.rel @p0 .LBB2_1-.Ltmp4, $4  }
0x1cc: {  	[hbm4b:s6+s2] =	stream.linear.scatter [tilespmem:s12], [sflag:$0x3], $0x2000, $0x38;
	[tilespmem:$0x1C398] =	vst v63  }
0x1cd: {  	_ =	swait.ge [sflag:s10], $0x2000  }
0x1ce: {  	[sflag:s10] =	ssyncset.done $0x0  }
0x1cf: {  	[sflag:s10] =	ssyncadd.s32 $0xFFFFE000  }
0x1d0: {  	_ =	sfence.sel $0x180000  }
0x1d1: {  	[bflag:$0x0] =	sbarrier.arrive $0xFFFF  }
0x1d2: {  	p0 =	sne.s32 s0, $0x0;
	_ =	strace $0x90000047  }
0x1d3: {  	s0 =	sadd.s32 @!p0 $0x100000, s1;
	[bflag:$0x2] =	sbarrier.arrive $0xFFFF  }
0x1d4: {  	[sflag:s0] =	ssyncadd.tile.s32 @!p0 $0x1;
	_ =	shalt  }
.Lfunc_end2:
_tile_overlayer_lowered:
.L_overlay_start_2:
0x1d5: {  	(tag) =	ssettag $0x2  }
0x1d6: {  	s0 =	rddreg [dreg:$0x0];
	s2 =	stileid.u32  }
0x1d7: {  	s1 =	rddreg [dreg:$0x1];
	p0 =	sne.s32 s2, $0x0  }
0x1d8: {  	s3 =	rddreg [dreg:$0x2];
	[bflag:$0x3] =	sbarrier.arrive $0xFFFF;
	s2 =	simm.s32 @!p0 $0x1C03  }
0x1d9: {  	[timem:s3], [sflag:s2] =	dma.local @!p0 [hbm:s0], s1  }
0x1da: {  	s0 =	simm.s32 @!p0 $0x3  }
0x1db: {  	_ =	swait.ge @!p0 [sflag:s0], s1  }
0x1dc: {  	s1 =	ssub.s32 @!p0 $0x0, s1;
	[sflag:s0] =	ssyncset.done @!p0 $0x0  }
0x1dd: {  	[sflag:s0] =	ssyncadd.s32 @!p0 s1  }
0x1de: {  	[bflag:$0x3] =	sbarrier.arrive $0xFFFF  }
0x1df: {  	_ =	shalt  }

</sc_bundles>
